<compile_context>
chip_gen: v7x
topology: tpu7x:2x2x1
jax: 0.10.2.dev20260603
libtpu: 0.0.44.dev20260713+nightly
codegen_flags: <defaults>
</compile_context>

<pallas_src>
import functools

import jax
import jax.numpy as jnp
from jax import lax
from jax.experimental import pallas as pl
from jax.experimental.pallas import tpu as pltpu
from jax.experimental.pallas import tpu_sc as plsc

N_NODES = 10000
D = 128
N_EDGES = 320000

NC = 2
NS = 16
NW = NC * NS

E_PER_TILE = N_EDGES // NW
CHUNK = 32
N_CHUNKS = 312
TAIL = E_PER_TILE - N_CHUNKS * CHUNK

N_PAD = 10240
ROWS_PER_TILE = N_PAD // NS

NBUF = 8


def _sc_aggregate(x, edge_flat):
  mesh = plsc.VectorSubcoreMesh(
      core_axis_name="c", subcore_axis_name="s", num_cores=NC,
      num_subcores=NS)

  @functools.partial(
      pl.kernel,
      out_type=jax.ShapeDtypeStruct((NC, N_PAD, D), jnp.float32),
      mesh=mesh,
      scratch_types=[
          pltpu.VMEM((E_PER_TILE,), jnp.int32),
          [pltpu.VMEM((CHUNK,), jnp.int32) for _ in range(NBUF)],
          [pltpu.VMEM((CHUNK, D), jnp.float32) for _ in range(NBUF)],
          pltpu.VMEM((TAIL,), jnp.int32),
          pltpu.VMEM((TAIL,), jnp.int32),
          pltpu.VMEM((TAIL, D), jnp.float32),
          pltpu.VMEM_SHARED((N_PAD, D), jnp.float32),
          pltpu.SemaphoreType.DMA,
          pltpu.SemaphoreType.DMA,
          [pltpu.SemaphoreType.DMA for _ in range(NBUF)],
          [pltpu.SemaphoreType.DMA for _ in range(NBUF)],
          [pltpu.SemaphoreType.DMA for _ in range(NBUF)],
      ],
  )
  def agg_kernel(x_hbm, e_hbm, out_hbm,
                 src_all, dst_slot, rows, tsrc, tdst, trows, acc,
                 sem_i, sem_z, sem_d, sem_g, sem_s):
    c = lax.axis_index("c")
    s = lax.axis_index("s")
    wid = s * NC + c
    base = wid * E_PER_TILE
    tail0 = base + N_CHUNKS * CHUNK

    pltpu.async_copy(e_hbm.at[pl.ds(base, E_PER_TILE)], src_all, sem_i)
    pltpu.async_copy(e_hbm.at[pl.ds(tail0, TAIL)], tsrc, sem_i)
    pltpu.async_copy(e_hbm.at[pl.ds(N_EDGES + tail0, TAIL)], tdst, sem_i)

    zeros16 = jnp.zeros((16,), jnp.float32)

    def zrow(i, _):
      for j in range(D // 16):
        rows[7][i, pl.ds(j * 16, 16)] = zeros16
      return 0

    lax.fori_loop(0, CHUNK, zrow, 0)
    r0 = s * ROWS_PER_TILE
    for k in range(ROWS_PER_TILE // CHUNK):
      pltpu.async_copy(rows[7], acc.at[pl.ds(r0 + k * CHUNK, CHUNK), :],
                       sem_z)

    def load_dst(i, sl):
      pltpu.async_copy(e_hbm.at[pl.ds(N_EDGES + base + i * CHUNK, CHUNK)],
                       dst_slot[sl], sem_d[sl])

    def wait_dst(sl):
      pltpu.make_async_copy(e_hbm.at[pl.ds(base, CHUNK)],
                            dst_slot[sl], sem_d[sl]).wait()

    def start_gather(i, rb):
      pltpu.async_copy(
          x_hbm.at[src_all.at[pl.ds(i * CHUNK, CHUNK)]], rows[rb],
          sem_g[rb])

    def wait_gather(rb):
      pltpu.make_async_copy(
          x_hbm.at[src_all.at[pl.ds(0, CHUNK)]], rows[rb],
          sem_g[rb]).wait()

    def start_scatter(rb, sl):
      pltpu.async_copy(rows[rb], acc.at[dst_slot[sl]], sem_s[rb],
                       add=True)

    def wait_scatter(rb):
      pltpu.make_async_copy(rows[rb], acc.at[dst_slot[0]],
                            sem_s[rb]).wait()

    pltpu.make_async_copy(e_hbm.at[pl.ds(base, E_PER_TILE)], src_all,
                          sem_i).wait()
    for sl in range(4):
      load_dst(sl, sl)
    for bb in range(6):
      start_gather(bb, bb)

    for k in range(ROWS_PER_TILE // CHUNK):
      pltpu.make_async_copy(rows[7],
                            acc.at[pl.ds(r0, CHUNK), :], sem_z).wait()
    plsc.subcore_barrier()

    NG = N_CHUNKS // NBUF
    LAST = NG - 1

    def oct_body(g, _):
      for b in range(NBUF):
        i = g * NBUF + b
        bn = (b + 6) % NBUF
        wait_gather(b)
        wait_dst(b)
        start_scatter(b, b)
        if b >= 2:
          wait_scatter(bn)
        else:
          @pl.when(g > 0)
          def _():
            wait_scatter(bn)
        if b <= 1:
          start_gather(i + 6, bn)
        else:
          @pl.when(g < LAST)
          def _():
            start_gather(i + 6, bn)
        if b <= 3:
          load_dst(i + 4, (b + 4) % NBUF)
        else:
          @pl.when(g < LAST)
          def _():
            load_dst(i + 4, (b + 4) % NBUF)
      return 0

    lax.fori_loop(0, NG, oct_body, 0)

    pltpu.make_async_copy(e_hbm.at[pl.ds(tail0, TAIL)], tsrc,
                          sem_i).wait()
    pltpu.make_async_copy(e_hbm.at[pl.ds(N_EDGES + tail0, TAIL)], tdst,
                          sem_i).wait()
    pltpu.sync_copy(x_hbm.at[tsrc], trows)
    pltpu.sync_copy(trows, acc.at[tdst], add=True)

    wait_scatter(6)
    wait_scatter(7)
    plsc.subcore_barrier()

    pltpu.sync_copy(acc.at[pl.ds(r0, ROWS_PER_TILE), :],
                    out_hbm.at[c, pl.ds(r0, ROWS_PER_TILE), :])

  return agg_kernel(x, edge_flat)


BLK = 2000


def _mlp_block(x_ref, p0_ref, p1_ref, w1_ref, b1_ref, w2_ref, b2_ref,
               out_ref):
  h = x_ref[...] + p0_ref[0] + p1_ref[0]
  h = jnp.dot(h, w1_ref[...], preferred_element_type=jnp.float32)
  h = jnp.maximum(h + b1_ref[...], 0.0)
  out_ref[...] = (
      jnp.dot(h, w2_ref[...], preferred_element_type=jnp.float32)
      + b2_ref[...])


def _mlp(x, partials, W1, b1, W2, b2):
  grid = (N_NODES // BLK,)
  row_spec = pl.BlockSpec((BLK, D), lambda i: (i, 0))
  p0_spec = pl.BlockSpec((1, BLK, D), lambda i: (0, i, 0))
  p1_spec = pl.BlockSpec((1, BLK, D), lambda i: (1, i, 0))
  full = pl.BlockSpec((D, D), lambda i: (0, 0))
  vec = pl.BlockSpec((1, D), lambda i: (0, 0))
  return pl.pallas_call(
      _mlp_block,
      grid=grid,
      in_specs=[row_spec, p0_spec, p1_spec, full, vec, full, vec],
      out_specs=row_spec,
      out_shape=jax.ShapeDtypeStruct((N_NODES, D), jnp.float32),
  )(x, partials, partials, W1, b1.reshape(1, D), W2, b2.reshape(1, D))


@jax.jit
def kernel(x, edge_index, W1, b1, W2, b2):
  partials = _sc_aggregate(x, edge_index.astype(jnp.int32).ravel())
  return _mlp(x, partials, W1, b1, W2, b2)

# --- scband reference (transcript-rebuilt; emitter-appended) ---
"""Pipeline reference for scband-ginconv-module-74861279969841 (READ-ONLY COPY).

The authoritative reference and input builder live on the scoring server;
editing this copy changes nothing except your own understanding.
"""

import jax, jax.numpy as jnp
import numpy as np

N_NODES = 10000
N_EDGES = 320000
D_IN = 128
D_OUT = 128

def setup_inputs(seed: int = 0) -> dict:
    key = jax.random.key(seed)
    k_x, k_ei, k_w1, k_b1, k_w2, k_b2 = jax.random.split(key, 6)
    x = jax.random.normal(k_x, (N_NODES, D_IN), dtype=jnp.float32)
    edge_index = jax.random.randint(k_ei, (2, N_EDGES), 0, N_NODES, dtype=jnp.int64)
    # MLP params: Linear(D_IN, D_OUT) -> ReLU -> Linear(D_OUT, D_OUT)
    lim1 = 1.0 / np.sqrt(D_IN)
    W1 = jax.random.uniform(k_w1, (D_IN, D_OUT), minval=-lim1, maxval=lim1, dtype=jnp.float32)
    b1 = jax.random.uniform(k_b1, (D_OUT,), minval=-lim1, maxval=lim1, dtype=jnp.float32)
    lim2 = 1.0 / np.sqrt(D_OUT)
    W2 = jax.random.uniform(k_w2, (D_OUT, D_OUT), minval=-lim2, maxval=lim2, dtype=jnp.float32)
    b2 = jax.random.uniform(k_b2, (D_OUT,), minval=-lim2, maxval=lim2, dtype=jnp.float32)
    return {"x": x, "edge_index": edge_index, "W1": W1, "b1": b1, "W2": W2, "b2": b2}

def reference(x, edge_index, W1, b1, W2, b2):
    # GINConv with eps=0 (default, non-trainable):
    # out = MLP((1 + eps) * x + sum_{j in N(i)} x_j)
    src = edge_index[0]
    dst = edge_index[1]
    msgs = jnp.take(x, src, axis=0)                      # gather source features [E, D]
    agg = jax.ops.segment_sum(msgs, dst, num_segments=x.shape[0])  # scatter-add to dst
    eps = 0.0
    h = (1.0 + eps) * x + agg
    h = h @ W1 + b1
    h = jax.nn.relu(h)
    out = h @ W2 + b2
    return out

if __name__ == "__main__":
    import jax
    _d = setup_inputs()
    print(jax.jit(kernel)(*tuple(_d.values())))

</pallas_src>

<mosaic_0001>
#map = affine_map<(d0, d1) -> (0, 0)>
#map1 = affine_map<(d0, d1) -> (0)>
#map2 = affine_map<(d0, d1) -> (0, 0, 0)>
module attributes {stable_mosaic.version = 14 : i64} {
  func.func @agg_kernel(%arg0: i32, %arg1: i32, %arg2: memref<10000x128xf32, #tpu.memory_space<hbm>>, %arg3: memref<640000xi32, #tpu.memory_space<hbm>>, %arg4: memref<2x10240x128xf32, #tpu.memory_space<hbm>>, %arg5: memref<10000xi32, #tpu.memory_space<vmem>>, %arg6: memref<32xi32, #tpu.memory_space<vmem>>, %arg7: memref<32xi32, #tpu.memory_space<vmem>>, %arg8: memref<32xi32, #tpu.memory_space<vmem>>, %arg9: memref<32xi32, #tpu.memory_space<vmem>>, %arg10: memref<32xi32, #tpu.memory_space<vmem>>, %arg11: memref<32xi32, #tpu.memory_space<vmem>>, %arg12: memref<32xi32, #tpu.memory_space<vmem>>, %arg13: memref<32xi32, #tpu.memory_space<vmem>>, %arg14: memref<32x128xf32, #tpu.memory_space<vmem>>, %arg15: memref<32x128xf32, #tpu.memory_space<vmem>>, %arg16: memref<32x128xf32, #tpu.memory_space<vmem>>, %arg17: memref<32x128xf32, #tpu.memory_space<vmem>>, %arg18: memref<32x128xf32, #tpu.memory_space<vmem>>, %arg19: memref<32x128xf32, #tpu.memory_space<vmem>>, %arg20: memref<32x128xf32, #tpu.memory_space<vmem>>, %arg21: memref<32x128xf32, #tpu.memory_space<vmem>>, %arg22: memref<16xi32, #tpu.memory_space<vmem>>, %arg23: memref<16xi32, #tpu.memory_space<vmem>>, %arg24: memref<16x128xf32, #tpu.memory_space<vmem>>, %arg25: memref<10240x128xf32, #tpu.memory_space<vmem_shared>>, %arg26: memref<!tpu.dma_semaphore, #tpu.memory_space<semaphore_mem>>, %arg27: memref<!tpu.dma_semaphore, #tpu.memory_space<semaphore_mem>>, %arg28: memref<!tpu.dma_semaphore, #tpu.memory_space<semaphore_mem>>, %arg29: memref<!tpu.dma_semaphore, #tpu.memory_space<semaphore_mem>>, %arg30: memref<!tpu.dma_semaphore, #tpu.memory_space<semaphore_mem>>, %arg31: memref<!tpu.dma_semaphore, #tpu.memory_space<semaphore_mem>>, %arg32: memref<!tpu.dma_semaphore, #tpu.memory_space<semaphore_mem>>, %arg33: memref<!tpu.dma_semaphore, #tpu.memory_space<semaphore_mem>>, %arg34: memref<!tpu.dma_semaphore, #tpu.memory_space<semaphore_mem>>, %arg35: memref<!tpu.dma_semaphore, #tpu.memory_space<semaphore_mem>>, %arg36: memref<!tpu.dma_semaphore, #tpu.memory_space<semaphore_mem>>, %arg37: memref<!tpu.dma_semaphore, #tpu.memory_space<semaphore_mem>>, %arg38: memref<!tpu.dma_semaphore, #tpu.memory_space<semaphore_mem>>, %arg39: memref<!tpu.dma_semaphore, #tpu.memory_space<semaphore_mem>>, %arg40: memref<!tpu.dma_semaphore, #tpu.memory_space<semaphore_mem>>, %arg41: memref<!tpu.dma_semaphore, #tpu.memory_space<semaphore_mem>>, %arg42: memref<!tpu.dma_semaphore, #tpu.memory_space<semaphore_mem>>, %arg43: memref<!tpu.dma_semaphore, #tpu.memory_space<semaphore_mem>>, %arg44: memref<!tpu.dma_semaphore, #tpu.memory_space<semaphore_mem>>, %arg45: memref<!tpu.dma_semaphore, #tpu.memory_space<semaphore_mem>>, %arg46: memref<!tpu.dma_semaphore, #tpu.memory_space<semaphore_mem>>, %arg47: memref<!tpu.dma_semaphore, #tpu.memory_space<semaphore_mem>>, %arg48: memref<!tpu.dma_semaphore, #tpu.memory_space<semaphore_mem>>, %arg49: memref<!tpu.dma_semaphore, #tpu.memory_space<semaphore_mem>>, %arg50: memref<!tpu.dma_semaphore, #tpu.memory_space<semaphore_mem>>, %arg51: memref<!tpu.dma_semaphore, #tpu.memory_space<semaphore_mem>>) attributes {dimension_semantics = [#tpu.dimension_semantics<core_parallel>, #tpu.dimension_semantics<subcore_parallel>], iteration_bounds = array<i64: 2, 16>, scalar_prefetch = 0 : i64, scratch_operands = 47 : i64, tpu.core_type = #tpu.core_type<sc_vector_subcore>, window_params = [{transform_indices = #map}, {transform_indices = #map1}, {transform_indices = #map2}]} {
    %mul3A = arith.constant 2 : i32
    %mul3A_0 = arith.muli %arg1, %mul3A : i32
    %add3A = arith.addi %mul3A_0, %arg0 : i32
    %mul3A_1 = arith.constant 10000 : i32
    %mul3A_2 = arith.muli %add3A, %mul3A_1 : i32
    %add3A_3 = arith.constant 9984 : i32
    %add3A_4 = arith.addi %mul3A_2, %add3A_3 : i32
    %dma_start3A = tpu.memref_slice %arg3[%mul3A_2] : memref<640000xi32, #tpu.memory_space<hbm>> -> memref<10000xi32, #tpu.memory_space<hbm>>
    %dma_start3A_5 = tpu.memref_slice %arg3[%mul3A_2] : memref<640000xi32, #tpu.memory_space<hbm>> -> memref<10000xi32, #tpu.memory_space<hbm>>
    tpu.enqueue_dma source(%dma_start3A_5 : memref<10000xi32, #tpu.memory_space<hbm>>) target(%arg5 : memref<10000xi32, #tpu.memory_space<vmem>>) target_semaphore(%arg26 : memref<!tpu.dma_semaphore, #tpu.memory_space<semaphore_mem>>)
    %dma_start3A_6 = tpu.memref_slice %arg3[%add3A_4] : memref<640000xi32, #tpu.memory_space<hbm>> -> memref<16xi32, #tpu.memory_space<hbm>>
    %dma_start3A_7 = tpu.memref_slice %arg3[%add3A_4] : memref<640000xi32, #tpu.memory_space<hbm>> -> memref<16xi32, #tpu.memory_space<hbm>>
    tpu.enqueue_dma source(%dma_start3A_7 : memref<16xi32, #tpu.memory_space<hbm>>) target(%arg22 : memref<16xi32, #tpu.memory_space<vmem>>) target_semaphore(%arg26 : memref<!tpu.dma_semaphore, #tpu.memory_space<semaphore_mem>>)
    %add3A_8 = arith.constant 320000 : i32
    %add3A_9 = arith.addi %add3A_8, %add3A_4 : i32
    %dma_start3A_10 = tpu.memref_slice %arg3[%add3A_9] : memref<640000xi32, #tpu.memory_space<hbm>> -> memref<16xi32, #tpu.memory_space<hbm>>
    %dma_start3A_11 = tpu.memref_slice %arg3[%add3A_9] : memref<640000xi32, #tpu.memory_space<hbm>> -> memref<16xi32, #tpu.memory_space<hbm>>
    tpu.enqueue_dma source(%dma_start3A_11 : memref<16xi32, #tpu.memory_space<hbm>>) target(%arg23 : memref<16xi32, #tpu.memory_space<vmem>>) target_semaphore(%arg26 : memref<!tpu.dma_semaphore, #tpu.memory_space<semaphore_mem>>)
    %broadcast_in_dim3A = arith.constant 0.000000e+00 : f32
    %broadcast_in_dim3A_12 = vector.broadcast %broadcast_in_dim3A : f32 to vector<16xf32>
    %scan3A = arith.constant 0 : i32
    %scan3A_13 = arith.constant 0 : i32
    %scan3A_14 = arith.constant 32 : i32
    %scan3A_15 = arith.addi %scan3A_13, %scan3A_14 : i32
    %scan3A_16 = arith.constant 1 : i32
    %scan3A_17 = scf.for %scan3A_296 = %scan3A_13 to %scan3A_15 step %scan3A_16 iter_args(%scan3A_297 = %scan3A) -> (i32)  : i32 {
      %swap3A = arith.index_cast %scan3A_296 : i32 to index
      %swap3A_298 = arith.constant 0 : index
      %swap3A_299 = tpu.vector_load %arg21[%swap3A, %swap3A_298] {strides = array<i32>} : memref<32x128xf32, #tpu.memory_space<vmem>>, vector<1x16xf32>,
      %swap3A_300 = vector.shape_cast %swap3A_299 : vector<1x16xf32> to vector<16xf32>
      %swap3A_301 = vector.shape_cast %broadcast_in_dim3A_12 : vector<16xf32> to vector<1x16xf32>
      tpu.vector_store %arg21[%swap3A, %swap3A_298], %swap3A_301 {strides = array<i32>} : memref<32x128xf32, #tpu.memory_space<vmem>>, vector<1x16xf32>,
      %swap3A_302 = arith.index_cast %scan3A_296 : i32 to index
      %swap3A_303 = arith.constant 16 : index
      %swap3A_304 = tpu.vector_load %arg21[%swap3A_302, %swap3A_303] {strides = array<i32>} : memref<32x128xf32, #tpu.memory_space<vmem>>, vector<1x16xf32>,
      %swap3A_305 = vector.shape_cast %swap3A_304 : vector<1x16xf32> to vector<16xf32>
      %swap3A_306 = vector.shape_cast %broadcast_in_dim3A_12 : vector<16xf32> to vector<1x16xf32>
      tpu.vector_store %arg21[%swap3A_302, %swap3A_303], %swap3A_306 {strides = array<i32>} : memref<32x128xf32, #tpu.memory_space<vmem>>, vector<1x16xf32>,
      %swap3A_307 = arith.index_cast %scan3A_296 : i32 to index
      %swap3A_308 = arith.constant 32 : index
      %swap3A_309 = tpu.vector_load %arg21[%swap3A_307, %swap3A_308] {strides = array<i32>} : memref<32x128xf32, #tpu.memory_space<vmem>>, vector<1x16xf32>,
      %swap3A_310 = vector.shape_cast %swap3A_309 : vector<1x16xf32> to vector<16xf32>
      %swap3A_311 = vector.shape_cast %broadcast_in_dim3A_12 : vector<16xf32> to vector<1x16xf32>
      tpu.vector_store %arg21[%swap3A_307, %swap3A_308], %swap3A_311 {strides = array<i32>} : memref<32x128xf32, #tpu.memory_space<vmem>>, vector<1x16xf32>,
      %swap3A_312 = arith.index_cast %scan3A_296 : i32 to index
      %swap3A_313 = arith.constant 48 : index
      %swap3A_314 = tpu.vector_load %arg21[%swap3A_312, %swap3A_313] {strides = array<i32>} : memref<32x128xf32, #tpu.memory_space<vmem>>, vector<1x16xf32>,
      %swap3A_315 = vector.shape_cast %swap3A_314 : vector<1x16xf32> to vector<16xf32>
      %swap3A_316 = vector.shape_cast %broadcast_in_dim3A_12 : vector<16xf32> to vector<1x16xf32>
      tpu.vector_store %arg21[%swap3A_312, %swap3A_313], %swap3A_316 {strides = array<i32>} : memref<32x128xf32, #tpu.memory_space<vmem>>, vector<1x16xf32>,
      %swap3A_317 = arith.index_cast %scan3A_296 : i32 to index
      %swap3A_318 = arith.constant 64 : index
      %swap3A_319 = tpu.vector_load %arg21[%swap3A_317, %swap3A_318] {strides = array<i32>} : memref<32x128xf32, #tpu.memory_space<vmem>>, vector<1x16xf32>,
      %swap3A_320 = vector.shape_cast %swap3A_319 : vector<1x16xf32> to vector<16xf32>
      %swap3A_321 = vector.shape_cast %broadcast_in_dim3A_12 : vector<16xf32> to vector<1x16xf32>
      tpu.vector_store %arg21[%swap3A_317, %swap3A_318], %swap3A_321 {strides = array<i32>} : memref<32x128xf32, #tpu.memory_space<vmem>>, vector<1x16xf32>,
      %swap3A_322 = arith.index_cast %scan3A_296 : i32 to index
      %swap3A_323 = arith.constant 80 : index
      %swap3A_324 = tpu.vector_load %arg21[%swap3A_322, %swap3A_323] {strides = array<i32>} : memref<32x128xf32, #tpu.memory_space<vmem>>, vector<1x16xf32>,
      %swap3A_325 = vector.shape_cast %swap3A_324 : vector<1x16xf32> to vector<16xf32>
      %swap3A_326 = vector.shape_cast %broadcast_in_dim3A_12 : vector<16xf32> to vector<1x16xf32>
      tpu.vector_store %arg21[%swap3A_322, %swap3A_323], %swap3A_326 {strides = array<i32>} : memref<32x128xf32, #tpu.memory_space<vmem>>, vector<1x16xf32>,
      %swap3A_327 = arith.index_cast %scan3A_296 : i32 to index
      %swap3A_328 = arith.constant 96 : index
      %swap3A_329 = tpu.vector_load %arg21[%swap3A_327, %swap3A_328] {strides = array<i32>} : memref<32x128xf32, #tpu.memory_space<vmem>>, vector<1x16xf32>,
      %swap3A_330 = vector.shape_cast %swap3A_329 : vector<1x16xf32> to vector<16xf32>
      %swap3A_331 = vector.shape_cast %broadcast_in_dim3A_12 : vector<16xf32> to vector<1x16xf32>
      tpu.vector_store %arg21[%swap3A_327, %swap3A_328], %swap3A_331 {strides = array<i32>} : memref<32x128xf32, #tpu.memory_space<vmem>>, vector<1x16xf32>,
      %swap3A_332 = arith.index_cast %scan3A_296 : i32 to index
      %swap3A_333 = arith.constant 112 : index
      %swap3A_334 = tpu.vector_load %arg21[%swap3A_332, %swap3A_333] {strides = array<i32>} : memref<32x128xf32, #tpu.memory_space<vmem>>, vector<1x16xf32>,
      %swap3A_335 = vector.shape_cast %swap3A_334 : vector<1x16xf32> to vector<16xf32>
      %swap3A_336 = vector.shape_cast %broadcast_in_dim3A_12 : vector<16xf32> to vector<1x16xf32>
      tpu.vector_store %arg21[%swap3A_332, %swap3A_333], %swap3A_336 {strides = array<i32>} : memref<32x128xf32, #tpu.memory_space<vmem>>, vector<1x16xf32>,
      %scan3A_337 = arith.constant 0 : i32
      scf.yield %scan3A_337 : i32
    }
    %scan3A_18 = arith.constant 32 : i32
    %mul3A_19 = arith.constant 640 : i32
    %mul3A_20 = arith.muli %arg1, %mul3A_19 : i32
    %add3A_21 = arith.constant 0 : i32
    %add3A_22 = arith.addi %mul3A_20, %add3A_21 : i32
    %dma_start3A_23 = arith.constant 0 : i32
    %dma_start3A_24 = tpu.memref_slice %arg25[%add3A_22, %dma_start3A_23] : memref<10240x128xf32, #tpu.memory_space<vmem_shared>> -> memref<32x128xf32, #tpu.memory_space<vmem_shared>>
    %dma_start3A_25 = arith.constant 0 : i32
    %dma_start3A_26 = tpu.memref_slice %arg25[%add3A_22, %dma_start3A_25] : memref<10240x128xf32, #tpu.memory_space<vmem_shared>> -> memref<32x128xf32, #tpu.memory_space<vmem_shared>>
    tpu.enqueue_dma source(%arg21 : memref<32x128xf32, #tpu.memory_space<vmem>>) target(%dma_start3A_26 : memref<32x128xf32, #tpu.memory_space<vmem_shared>>) target_semaphore(%arg27 : memref<!tpu.dma_semaphore, #tpu.memory_space<semaphore_mem>>)
    %add3A_27 = arith.constant 32 : i32
    %add3A_28 = arith.addi %mul3A_20, %add3A_27 : i32
    %dma_start3A_29 = arith.constant 0 : i32
    %dma_start3A_30 = tpu.memref_slice %arg25[%add3A_28, %dma_start3A_29] : memref<10240x128xf32, #tpu.memory_space<vmem_shared>> -> memref<32x128xf32, #tpu.memory_space<vmem_shared>>
    %dma_start3A_31 = arith.constant 0 : i32
    %dma_start3A_32 = tpu.memref_slice %arg25[%add3A_28, %dma_start3A_31] : memref<10240x128xf32, #tpu.memory_space<vmem_shared>> -> memref<32x128xf32, #tpu.memory_space<vmem_shared>>
    tpu.enqueue_dma source(%arg21 : memref<32x128xf32, #tpu.memory_space<vmem>>) target(%dma_start3A_32 : memref<32x128xf32, #tpu.memory_space<vmem_shared>>) target_semaphore(%arg27 : memref<!tpu.dma_semaphore, #tpu.memory_space<semaphore_mem>>)
    %add3A_33 = arith.constant 64 : i32
    %add3A_34 = arith.addi %mul3A_20, %add3A_33 : i32
    %dma_start3A_35 = arith.constant 0 : i32
    %dma_start3A_36 = tpu.memref_slice %arg25[%add3A_34, %dma_start3A_35] : memref<10240x128xf32, #tpu.memory_space<vmem_shared>> -> memref<32x128xf32, #tpu.memory_space<vmem_shared>>
    %dma_start3A_37 = arith.constant 0 : i32
    %dma_start3A_38 = tpu.memref_slice %arg25[%add3A_34, %dma_start3A_37] : memref<10240x128xf32, #tpu.memory_space<vmem_shared>> -> memref<32x128xf32, #tpu.memory_space<vmem_shared>>
    tpu.enqueue_dma source(%arg21 : memref<32x128xf32, #tpu.memory_space<vmem>>) target(%dma_start3A_38 : memref<32x128xf32, #tpu.memory_space<vmem_shared>>) target_semaphore(%arg27 : memref<!tpu.dma_semaphore, #tpu.memory_space<semaphore_mem>>)
    %add3A_39 = arith.constant 96 : i32
    %add3A_40 = arith.addi %mul3A_20, %add3A_39 : i32
    %dma_start3A_41 = arith.constant 0 : i32
    %dma_start3A_42 = tpu.memref_slice %arg25[%add3A_40, %dma_start3A_41] : memref<10240x128xf32, #tpu.memory_space<vmem_shared>> -> memref<32x128xf32, #tpu.memory_space<vmem_shared>>
    %dma_start3A_43 = arith.constant 0 : i32
    %dma_start3A_44 = tpu.memref_slice %arg25[%add3A_40, %dma_start3A_43] : memref<10240x128xf32, #tpu.memory_space<vmem_shared>> -> memref<32x128xf32, #tpu.memory_space<vmem_shared>>
    tpu.enqueue_dma source(%arg21 : memref<32x128xf32, #tpu.memory_space<vmem>>) target(%dma_start3A_44 : memref<32x128xf32, #tpu.memory_space<vmem_shared>>) target_semaphore(%arg27 : memref<!tpu.dma_semaphore, #tpu.memory_space<semaphore_mem>>)
    %add3A_45 = arith.constant 128 : i32
    %add3A_46 = arith.addi %mul3A_20, %add3A_45 : i32
    %dma_start3A_47 = arith.constant 0 : i32
    %dma_start3A_48 = tpu.memref_slice %arg25[%add3A_46, %dma_start3A_47] : memref<10240x128xf32, #tpu.memory_space<vmem_shared>> -> memref<32x128xf32, #tpu.memory_space<vmem_shared>>
    %dma_start3A_49 = arith.constant 0 : i32
    %dma_start3A_50 = tpu.memref_slice %arg25[%add3A_46, %dma_start3A_49] : memref<10240x128xf32, #tpu.memory_space<vmem_shared>> -> memref<32x128xf32, #tpu.memory_space<vmem_shared>>
    tpu.enqueue_dma source(%arg21 : memref<32x128xf32, #tpu.memory_space<vmem>>) target(%dma_start3A_50 : memref<32x128xf32, #tpu.memory_space<vmem_shared>>) target_semaphore(%arg27 : memref<!tpu.dma_semaphore, #tpu.memory_space<semaphore_mem>>)
    %add3A_51 = arith.constant 160 : i32
    %add3A_52 = arith.addi %mul3A_20, %add3A_51 : i32
    %dma_start3A_53 = arith.constant 0 : i32
    %dma_start3A_54 = tpu.memref_slice %arg25[%add3A_52, %dma_start3A_53] : memref<10240x128xf32, #tpu.memory_space<vmem_shared>> -> memref<32x128xf32, #tpu.memory_space<vmem_shared>>
    %dma_start3A_55 = arith.constant 0 : i32
    %dma_start3A_56 = tpu.memref_slice %arg25[%add3A_52, %dma_start3A_55] : memref<10240x128xf32, #tpu.memory_space<vmem_shared>> -> memref<32x128xf32, #tpu.memory_space<vmem_shared>>
    tpu.enqueue_dma source(%arg21 : memref<32x128xf32, #tpu.memory_space<vmem>>) target(%dma_start3A_56 : memref<32x128xf32, #tpu.memory_space<vmem_shared>>) target_semaphore(%arg27 : memref<!tpu.dma_semaphore, #tpu.memory_space<semaphore_mem>>)
    %add3A_57 = arith.constant 192 : i32
    %add3A_58 = arith.addi %mul3A_20, %add3A_57 : i32
    %dma_start3A_59 = arith.constant 0 : i32
    %dma_start3A_60 = tpu.memref_slice %arg25[%add3A_58, %dma_start3A_59] : memref<10240x128xf32, #tpu.memory_space<vmem_shared>> -> memref<32x128xf32, #tpu.memory_space<vmem_shared>>
    %dma_start3A_61 = arith.constant 0 : i32
    %dma_start3A_62 = tpu.memref_slice %arg25[%add3A_58, %dma_start3A_61] : memref<10240x128xf32, #tpu.memory_space<vmem_shared>> -> memref<32x128xf32, #tpu.memory_space<vmem_shared>>
    tpu.enqueue_dma source(%arg21 : memref<32x128xf32, #tpu.memory_space<vmem>>) target(%dma_start3A_62 : memref<32x128xf32, #tpu.memory_space<vmem_shared>>) target_semaphore(%arg27 : memref<!tpu.dma_semaphore, #tpu.memory_space<semaphore_mem>>)
    %add3A_63 = arith.constant 224 : i32
    %add3A_64 = arith.addi %mul3A_20, %add3A_63 : i32
    %dma_start3A_65 = arith.constant 0 : i32
    %dma_start3A_66 = tpu.memref_slice %arg25[%add3A_64, %dma_start3A_65] : memref<10240x128xf32, #tpu.memory_space<vmem_shared>> -> memref<32x128xf32, #tpu.memory_space<vmem_shared>>
    %dma_start3A_67 = arith.constant 0 : i32
    %dma_start3A_68 = tpu.memref_slice %arg25[%add3A_64, %dma_start3A_67] : memref<10240x128xf32, #tpu.memory_space<vmem_shared>> -> memref<32x128xf32, #tpu.memory_space<vmem_shared>>
    tpu.enqueue_dma source(%arg21 : memref<32x128xf32, #tpu.memory_space<vmem>>) target(%dma_start3A_68 : memref<32x128xf32, #tpu.memory_space<vmem_shared>>) target_semaphore(%arg27 : memref<!tpu.dma_semaphore, #tpu.memory_space<semaphore_mem>>)
    %add3A_69 = arith.constant 256 : i32
    %add3A_70 = arith.addi %mul3A_20, %add3A_69 : i32
    %dma_start3A_71 = arith.constant 0 : i32
    %dma_start3A_72 = tpu.memref_slice %arg25[%add3A_70, %dma_start3A_71] : memref<10240x128xf32, #tpu.memory_space<vmem_shared>> -> memref<32x128xf32, #tpu.memory_space<vmem_shared>>
    %dma_start3A_73 = arith.constant 0 : i32
    %dma_start3A_74 = tpu.memref_slice %arg25[%add3A_70, %dma_start3A_73] : memref<10240x128xf32, #tpu.memory_space<vmem_shared>> -> memref<32x128xf32, #tpu.memory_space<vmem_shared>>
    tpu.enqueue_dma source(%arg21 : memref<32x128xf32, #tpu.memory_space<vmem>>) target(%dma_start3A_74 : memref<32x128xf32, #tpu.memory_space<vmem_shared>>) target_semaphore(%arg27 : memref<!tpu.dma_semaphore, #tpu.memory_space<semaphore_mem>>)
    %add3A_75 = arith.constant 288 : i32
    %add3A_76 = arith.addi %mul3A_20, %add3A_75 : i32
    %dma_start3A_77 = arith.constant 0 : i32
    %dma_start3A_78 = tpu.memref_slice %arg25[%add3A_76, %dma_start3A_77] : memref<10240x128xf32, #tpu.memory_space<vmem_shared>> -> memref<32x128xf32, #tpu.memory_space<vmem_shared>>
    %dma_start3A_79 = arith.constant 0 : i32
    %dma_start3A_80 = tpu.memref_slice %arg25[%add3A_76, %dma_start3A_79] : memref<10240x128xf32, #tpu.memory_space<vmem_shared>> -> memref<32x128xf32, #tpu.memory_space<vmem_shared>>
    tpu.enqueue_dma source(%arg21 : memref<32x128xf32, #tpu.memory_space<vmem>>) target(%dma_start3A_80 : memref<32x128xf32, #tpu.memory_space<vmem_shared>>) target_semaphore(%arg27 : memref<!tpu.dma_semaphore, #tpu.memory_space<semaphore_mem>>)
    %add3A_81 = arith.constant 320 : i32
    %add3A_82 = arith.addi %mul3A_20, %add3A_81 : i32
    %dma_start3A_83 = arith.constant 0 : i32
    %dma_start3A_84 = tpu.memref_slice %arg25[%add3A_82, %dma_start3A_83] : memref<10240x128xf32, #tpu.memory_space<vmem_shared>> -> memref<32x128xf32, #tpu.memory_space<vmem_shared>>
    %dma_start3A_85 = arith.constant 0 : i32
    %dma_start3A_86 = tpu.memref_slice %arg25[%add3A_82, %dma_start3A_85] : memref<10240x128xf32, #tpu.memory_space<vmem_shared>> -> memref<32x128xf32, #tpu.memory_space<vmem_shared>>
    tpu.enqueue_dma source(%arg21 : memref<32x128xf32, #tpu.memory_space<vmem>>) target(%dma_start3A_86 : memref<32x128xf32, #tpu.memory_space<vmem_shared>>) target_semaphore(%arg27 : memref<!tpu.dma_semaphore, #tpu.memory_space<semaphore_mem>>)
    %add3A_87 = arith.constant 352 : i32
    %add3A_88 = arith.addi %mul3A_20, %add3A_87 : i32
    %dma_start3A_89 = arith.constant 0 : i32
    %dma_start3A_90 = tpu.memref_slice %arg25[%add3A_88, %dma_start3A_89] : memref<10240x128xf32, #tpu.memory_space<vmem_shared>> -> memref<32x128xf32, #tpu.memory_space<vmem_shared>>
    %dma_start3A_91 = arith.constant 0 : i32
    %dma_start3A_92 = tpu.memref_slice %arg25[%add3A_88, %dma_start3A_91] : memref<10240x128xf32, #tpu.memory_space<vmem_shared>> -> memref<32x128xf32, #tpu.memory_space<vmem_shared>>
    tpu.enqueue_dma source(%arg21 : memref<32x128xf32, #tpu.memory_space<vmem>>) target(%dma_start3A_92 : memref<32x128xf32, #tpu.memory_space<vmem_shared>>) target_semaphore(%arg27 : memref<!tpu.dma_semaphore, #tpu.memory_space<semaphore_mem>>)
    %add3A_93 = arith.constant 384 : i32
    %add3A_94 = arith.addi %mul3A_20, %add3A_93 : i32
    %dma_start3A_95 = arith.constant 0 : i32
    %dma_start3A_96 = tpu.memref_slice %arg25[%add3A_94, %dma_start3A_95] : memref<10240x128xf32, #tpu.memory_space<vmem_shared>> -> memref<32x128xf32, #tpu.memory_space<vmem_shared>>
    %dma_start3A_97 = arith.constant 0 : i32
    %dma_start3A_98 = tpu.memref_slice %arg25[%add3A_94, %dma_start3A_97] : memref<10240x128xf32, #tpu.memory_space<vmem_shared>> -> memref<32x128xf32, #tpu.memory_space<vmem_shared>>
    tpu.enqueue_dma source(%arg21 : memref<32x128xf32, #tpu.memory_space<vmem>>) target(%dma_start3A_98 : memref<32x128xf32, #tpu.memory_space<vmem_shared>>) target_semaphore(%arg27 : memref<!tpu.dma_semaphore, #tpu.memory_space<semaphore_mem>>)
    %add3A_99 = arith.constant 416 : i32
    %add3A_100 = arith.addi %mul3A_20, %add3A_99 : i32
    %dma_start3A_101 = arith.constant 0 : i32
    %dma_start3A_102 = tpu.memref_slice %arg25[%add3A_100, %dma_start3A_101] : memref<10240x128xf32, #tpu.memory_space<vmem_shared>> -> memref<32x128xf32, #tpu.memory_space<vmem_shared>>
    %dma_start3A_103 = arith.constant 0 : i32
    %dma_start3A_104 = tpu.memref_slice %arg25[%add3A_100, %dma_start3A_103] : memref<10240x128xf32, #tpu.memory_space<vmem_shared>> -> memref<32x128xf32, #tpu.memory_space<vmem_shared>>
    tpu.enqueue_dma source(%arg21 : memref<32x128xf32, #tpu.memory_space<vmem>>) target(%dma_start3A_104 : memref<32x128xf32, #tpu.memory_space<vmem_shared>>) target_semaphore(%arg27 : memref<!tpu.dma_semaphore, #tpu.memory_space<semaphore_mem>>)
    %add3A_105 = arith.constant 448 : i32
    %add3A_106 = arith.addi %mul3A_20, %add3A_105 : i32
    %dma_start3A_107 = arith.constant 0 : i32
    %dma_start3A_108 = tpu.memref_slice %arg25[%add3A_106, %dma_start3A_107] : memref<10240x128xf32, #tpu.memory_space<vmem_shared>> -> memref<32x128xf32, #tpu.memory_space<vmem_shared>>
    %dma_start3A_109 = arith.constant 0 : i32
    %dma_start3A_110 = tpu.memref_slice %arg25[%add3A_106, %dma_start3A_109] : memref<10240x128xf32, #tpu.memory_space<vmem_shared>> -> memref<32x128xf32, #tpu.memory_space<vmem_shared>>
    tpu.enqueue_dma source(%arg21 : memref<32x128xf32, #tpu.memory_space<vmem>>) target(%dma_start3A_110 : memref<32x128xf32, #tpu.memory_space<vmem_shared>>) target_semaphore(%arg27 : memref<!tpu.dma_semaphore, #tpu.memory_space<semaphore_mem>>)
    %add3A_111 = arith.constant 480 : i32
    %add3A_112 = arith.addi %mul3A_20, %add3A_111 : i32
    %dma_start3A_113 = arith.constant 0 : i32
    %dma_start3A_114 = tpu.memref_slice %arg25[%add3A_112, %dma_start3A_113] : memref<10240x128xf32, #tpu.memory_space<vmem_shared>> -> memref<32x128xf32, #tpu.memory_space<vmem_shared>>
    %dma_start3A_115 = arith.constant 0 : i32
    %dma_start3A_116 = tpu.memref_slice %arg25[%add3A_112, %dma_start3A_115] : memref<10240x128xf32, #tpu.memory_space<vmem_shared>> -> memref<32x128xf32, #tpu.memory_space<vmem_shared>>
    tpu.enqueue_dma source(%arg21 : memref<32x128xf32, #tpu.memory_space<vmem>>) target(%dma_start3A_116 : memref<32x128xf32, #tpu.memory_space<vmem_shared>>) target_semaphore(%arg27 : memref<!tpu.dma_semaphore, #tpu.memory_space<semaphore_mem>>)
    %add3A_117 = arith.constant 512 : i32
    %add3A_118 = arith.addi %mul3A_20, %add3A_117 : i32
    %dma_start3A_119 = arith.constant 0 : i32
    %dma_start3A_120 = tpu.memref_slice %arg25[%add3A_118, %dma_start3A_119] : memref<10240x128xf32, #tpu.memory_space<vmem_shared>> -> memref<32x128xf32, #tpu.memory_space<vmem_shared>>
    %dma_start3A_121 = arith.constant 0 : i32
    %dma_start3A_122 = tpu.memref_slice %arg25[%add3A_118, %dma_start3A_121] : memref<10240x128xf32, #tpu.memory_space<vmem_shared>> -> memref<32x128xf32, #tpu.memory_space<vmem_shared>>
    tpu.enqueue_dma source(%arg21 : memref<32x128xf32, #tpu.memory_space<vmem>>) target(%dma_start3A_122 : memref<32x128xf32, #tpu.memory_space<vmem_shared>>) target_semaphore(%arg27 : memref<!tpu.dma_semaphore, #tpu.memory_space<semaphore_mem>>)
    %add3A_123 = arith.constant 544 : i32
    %add3A_124 = arith.addi %mul3A_20, %add3A_123 : i32
    %dma_start3A_125 = arith.constant 0 : i32
    %dma_start3A_126 = tpu.memref_slice %arg25[%add3A_124, %dma_start3A_125] : memref<10240x128xf32, #tpu.memory_space<vmem_shared>> -> memref<32x128xf32, #tpu.memory_space<vmem_shared>>
    %dma_start3A_127 = arith.constant 0 : i32
    %dma_start3A_128 = tpu.memref_slice %arg25[%add3A_124, %dma_start3A_127] : memref<10240x128xf32, #tpu.memory_space<vmem_shared>> -> memref<32x128xf32, #tpu.memory_space<vmem_shared>>
    tpu.enqueue_dma source(%arg21 : memref<32x128xf32, #tpu.memory_space<vmem>>) target(%dma_start3A_128 : memref<32x128xf32, #tpu.memory_space<vmem_shared>>) target_semaphore(%arg27 : memref<!tpu.dma_semaphore, #tpu.memory_space<semaphore_mem>>)
    %add3A_129 = arith.constant 576 : i32
    %add3A_130 = arith.addi %mul3A_20, %add3A_129 : i32
    %dma_start3A_131 = arith.constant 0 : i32
    %dma_start3A_132 = tpu.memref_slice %arg25[%add3A_130, %dma_start3A_131] : memref<10240x128xf32, #tpu.memory_space<vmem_shared>> -> memref<32x128xf32, #tpu.memory_space<vmem_shared>>
    %dma_start3A_133 = arith.constant 0 : i32
    %dma_start3A_134 = tpu.memref_slice %arg25[%add3A_130, %dma_start3A_133] : memref<10240x128xf32, #tpu.memory_space<vmem_shared>> -> memref<32x128xf32, #tpu.memory_space<vmem_shared>>
    tpu.enqueue_dma source(%arg21 : memref<32x128xf32, #tpu.memory_space<vmem>>) target(%dma_start3A_134 : memref<32x128xf32, #tpu.memory_space<vmem_shared>>) target_semaphore(%arg27 : memref<!tpu.dma_semaphore, #tpu.memory_space<semaphore_mem>>)
    %add3A_135 = arith.constant 608 : i32
    %add3A_136 = arith.addi %mul3A_20, %add3A_135 : i32
    %dma_start3A_137 = arith.constant 0 : i32
    %dma_start3A_138 = tpu.memref_slice %arg25[%add3A_136, %dma_start3A_137] : memref<10240x128xf32, #tpu.memory_space<vmem_shared>> -> memref<32x128xf32, #tpu.memory_space<vmem_shared>>
    %dma_start3A_139 = arith.constant 0 : i32
    %dma_start3A_140 = tpu.memref_slice %arg25[%add3A_136, %dma_start3A_139] : memref<10240x128xf32, #tpu.memory_space<vmem_shared>> -> memref<32x128xf32, #tpu.memory_space<vmem_shared>>
    tpu.enqueue_dma source(%arg21 : memref<32x128xf32, #tpu.memory_space<vmem>>) target(%dma_start3A_140 : memref<32x128xf32, #tpu.memory_space<vmem_shared>>) target_semaphore(%arg27 : memref<!tpu.dma_semaphore, #tpu.memory_space<semaphore_mem>>)
    %dma_wait3A = tpu.memref_slice %arg3[%mul3A_2] : memref<640000xi32, #tpu.memory_space<hbm>> -> memref<10000xi32, #tpu.memory_space<hbm>>
    %dma_wait3A_141 = tpu.memref_slice %arg3[%mul3A_2] : memref<640000xi32, #tpu.memory_space<hbm>> -> memref<10000xi32, #tpu.memory_space<hbm>>
    tpu.wait_dma2 semaphore(%arg26 : memref<!tpu.dma_semaphore, #tpu.memory_space<semaphore_mem>>) src(%dma_wait3A_141 : memref<10000xi32, #tpu.memory_space<hbm>>) dst(%arg5 : memref<10000xi32, #tpu.memory_space<vmem>>)
    %add3A_142 = arith.constant 320000 : i32
    %add3A_143 = arith.addi %add3A_142, %mul3A_2 : i32
    %add3A_144 = arith.constant 0 : i32
    %add3A_145 = arith.addi %add3A_143, %add3A_144 : i32
    %dma_start3A_146 = tpu.memref_slice %arg3[%add3A_145] : memref<640000xi32, #tpu.memory_space<hbm>> -> memref<32xi32, #tpu.memory_space<hbm>>
    %dma_start3A_147 = tpu.memref_slice %arg3[%add3A_145] : memref<640000xi32, #tpu.memory_space<hbm>> -> memref<32xi32, #tpu.memory_space<hbm>>
    tpu.enqueue_dma source(%dma_start3A_147 : memref<32xi32, #tpu.memory_space<hbm>>) target(%arg6 : memref<32xi32, #tpu.memory_space<vmem>>) target_semaphore(%arg28 : memref<!tpu.dma_semaphore, #tpu.memory_space<semaphore_mem>>)
    %add3A_148 = arith.constant 320000 : i32
    %add3A_149 = arith.addi %add3A_148, %mul3A_2 : i32
    %add3A_150 = arith.constant 32 : i32
    %add3A_151 = arith.addi %add3A_149, %add3A_150 : i32
    %dma_start3A_152 = tpu.memref_slice %arg3[%add3A_151] : memref<640000xi32, #tpu.memory_space<hbm>> -> memref<32xi32, #tpu.memory_space<hbm>>
    %dma_start3A_153 = tpu.memref_slice %arg3[%add3A_151] : memref<640000xi32, #tpu.memory_space<hbm>> -> memref<32xi32, #tpu.memory_space<hbm>>
    tpu.enqueue_dma source(%dma_start3A_153 : memref<32xi32, #tpu.memory_space<hbm>>) target(%arg7 : memref<32xi32, #tpu.memory_space<vmem>>) target_semaphore(%arg29 : memref<!tpu.dma_semaphore, #tpu.memory_space<semaphore_mem>>)
    %add3A_154 = arith.constant 320000 : i32
    %add3A_155 = arith.addi %add3A_154, %mul3A_2 : i32
    %add3A_156 = arith.constant 64 : i32
    %add3A_157 = arith.addi %add3A_155, %add3A_156 : i32
    %dma_start3A_158 = tpu.memref_slice %arg3[%add3A_157] : memref<640000xi32, #tpu.memory_space<hbm>> -> memref<32xi32, #tpu.memory_space<hbm>>
    %dma_start3A_159 = tpu.memref_slice %arg3[%add3A_157] : memref<640000xi32, #tpu.memory_space<hbm>> -> memref<32xi32, #tpu.memory_space<hbm>>
    tpu.enqueue_dma source(%dma_start3A_159 : memref<32xi32, #tpu.memory_space<hbm>>) target(%arg8 : memref<32xi32, #tpu.memory_space<vmem>>) target_semaphore(%arg30 : memref<!tpu.dma_semaphore, #tpu.memory_space<semaphore_mem>>)
    %add3A_160 = arith.constant 320000 : i32
    %add3A_161 = arith.addi %add3A_160, %mul3A_2 : i32
    %add3A_162 = arith.constant 96 : i32
    %add3A_163 = arith.addi %add3A_161, %add3A_162 : i32
    %dma_start3A_164 = tpu.memref_slice %arg3[%add3A_163] : memref<640000xi32, #tpu.memory_space<hbm>> -> memref<32xi32, #tpu.memory_space<hbm>>
    %dma_start3A_165 = tpu.memref_slice %arg3[%add3A_163] : memref<640000xi32, #tpu.memory_space<hbm>> -> memref<32xi32, #tpu.memory_space<hbm>>
    tpu.enqueue_dma source(%dma_start3A_165 : memref<32xi32, #tpu.memory_space<hbm>>) target(%arg9 : memref<32xi32, #tpu.memory_space<vmem>>) target_semaphore(%arg31 : memref<!tpu.dma_semaphore, #tpu.memory_space<semaphore_mem>>)
    %dma_start3A_166 = arith.constant 0 : i32
    %dma_start3A_167 = tpu.memref_slice %arg5[%dma_start3A_166] : memref<10000xi32, #tpu.memory_space<vmem>> -> memref<32xi32, #tpu.memory_space<vmem>>
    %dma_start3A_168 = arith.constant 0 : i32
    %dma_start3A_169 = arith.constant 0 : i32
    %dma_start3A_170 = tpu.memref_slice %arg2[%dma_start3A_168, %dma_start3A_169] : memref<10000x128xf32, #tpu.memory_space<hbm>> -> memref<10000x128xf32, #tpu.memory_space<hbm>>
    tpu.enqueue_indirect_dma source(%dma_start3A_170 : memref<10000x128xf32, #tpu.memory_space<hbm>>) target(%arg14 : memref<32x128xf32, #tpu.memory_space<vmem>>) offsets(%dma_start3A_167 : memref<32xi32, #tpu.memory_space<vmem>>) semaphore(%arg36 : memref<!tpu.dma_semaphore, #tpu.memory_space<semaphore_mem>>)
    %dma_start3A_171 = arith.constant 32 : i32
    %dma_start3A_172 = tpu.memref_slice %arg5[%dma_start3A_171] : memref<10000xi32, #tpu.memory_space<vmem>> -> memref<32xi32, #tpu.memory_space<vmem>>
    %dma_start3A_173 = arith.constant 0 : i32
    %dma_start3A_174 = arith.constant 0 : i32
    %dma_start3A_175 = tpu.memref_slice %arg2[%dma_start3A_173, %dma_start3A_174] : memref<10000x128xf32, #tpu.memory_space<hbm>> -> memref<10000x128xf32, #tpu.memory_space<hbm>>
    tpu.enqueue_indirect_dma source(%dma_start3A_175 : memref<10000x128xf32, #tpu.memory_space<hbm>>) target(%arg15 : memref<32x128xf32, #tpu.memory_space<vmem>>) offsets(%dma_start3A_172 : memref<32xi32, #tpu.memory_space<vmem>>) semaphore(%arg37 : memref<!tpu.dma_semaphore, #tpu.memory_space<semaphore_mem>>)
    %dma_start3A_176 = arith.constant 64 : i32
    %dma_start3A_177 = tpu.memref_slice %arg5[%dma_start3A_176] : memref<10000xi32, #tpu.memory_space<vmem>> -> memref<32xi32, #tpu.memory_space<vmem>>
    %dma_start3A_178 = arith.constant 0 : i32
    %dma_start3A_179 = arith.constant 0 : i32
    %dma_start3A_180 = tpu.memref_slice %arg2[%dma_start3A_178, %dma_start3A_179] : memref<10000x128xf32, #tpu.memory_space<hbm>> -> memref<10000x128xf32, #tpu.memory_space<hbm>>
    tpu.enqueue_indirect_dma source(%dma_start3A_180 : memref<10000x128xf32, #tpu.memory_space<hbm>>) target(%arg16 : memref<32x128xf32, #tpu.memory_space<vmem>>) offsets(%dma_start3A_177 : memref<32xi32, #tpu.memory_space<vmem>>) semaphore(%arg38 : memref<!tpu.dma_semaphore, #tpu.memory_space<semaphore_mem>>)
    %dma_start3A_181 = arith.constant 96 : i32
    %dma_start3A_182 = tpu.memref_slice %arg5[%dma_start3A_181] : memref<10000xi32, #tpu.memory_space<vmem>> -> memref<32xi32, #tpu.memory_space<vmem>>
    %dma_start3A_183 = arith.constant 0 : i32
    %dma_start3A_184 = arith.constant 0 : i32
    %dma_start3A_185 = tpu.memref_slice %arg2[%dma_start3A_183, %dma_start3A_184] : memref<10000x128xf32, #tpu.memory_space<hbm>> -> memref<10000x128xf32, #tpu.memory_space<hbm>>
    tpu.enqueue_indirect_dma source(%dma_start3A_185 : memref<10000x128xf32, #tpu.memory_space<hbm>>) target(%arg17 : memref<32x128xf32, #tpu.memory_space<vmem>>) offsets(%dma_start3A_182 : memref<32xi32, #tpu.memory_space<vmem>>) semaphore(%arg39 : memref<!tpu.dma_semaphore, #tpu.memory_space<semaphore_mem>>)
    %dma_start3A_186 = arith.constant 128 : i32
    %dma_start3A_187 = tpu.memref_slice %arg5[%dma_start3A_186] : memref<10000xi32, #tpu.memory_space<vmem>> -> memref<32xi32, #tpu.memory_space<vmem>>
    %dma_start3A_188 = arith.constant 0 : i32
    %dma_start3A_189 = arith.constant 0 : i32
    %dma_start3A_190 = tpu.memref_slice %arg2[%dma_start3A_188, %dma_start3A_189] : memref<10000x128xf32, #tpu.memory_space<hbm>> -> memref<10000x128xf32, #tpu.memory_space<hbm>>
    tpu.enqueue_indirect_dma source(%dma_start3A_190 : memref<10000x128xf32, #tpu.memory_space<hbm>>) target(%arg18 : memref<32x128xf32, #tpu.memory_space<vmem>>) offsets(%dma_start3A_187 : memref<32xi32, #tpu.memory_space<vmem>>) semaphore(%arg40 : memref<!tpu.dma_semaphore, #tpu.memory_space<semaphore_mem>>)
    %dma_start3A_191 = arith.constant 160 : i32
    %dma_start3A_192 = tpu.memref_slice %arg5[%dma_start3A_191] : memref<10000xi32, #tpu.memory_space<vmem>> -> memref<32xi32, #tpu.memory_space<vmem>>
    %dma_start3A_193 = arith.constant 0 : i32
    %dma_start3A_194 = arith.constant 0 : i32
    %dma_start3A_195 = tpu.memref_slice %arg2[%dma_start3A_193, %dma_start3A_194] : memref<10000x128xf32, #tpu.memory_space<hbm>> -> memref<10000x128xf32, #tpu.memory_space<hbm>>
    tpu.enqueue_indirect_dma source(%dma_start3A_195 : memref<10000x128xf32, #tpu.memory_space<hbm>>) target(%arg19 : memref<32x128xf32, #tpu.memory_space<vmem>>) offsets(%dma_start3A_192 : memref<32xi32, #tpu.memory_space<vmem>>) semaphore(%arg41 : memref<!tpu.dma_semaphore, #tpu.memory_space<semaphore_mem>>)
    %dma_wait3A_196 = arith.constant 0 : i32
    %dma_wait3A_197 = tpu.memref_slice %arg25[%mul3A_20, %dma_wait3A_196] : memref<10240x128xf32, #tpu.memory_space<vmem_shared>> -> memref<32x128xf32, #tpu.memory_space<vmem_shared>>
    %dma_wait3A_198 = arith.constant 0 : i32
    %dma_wait3A_199 = tpu.memref_slice %arg25[%mul3A_20, %dma_wait3A_198] : memref<10240x128xf32, #tpu.memory_space<vmem_shared>> -> memref<32x128xf32, #tpu.memory_space<vmem_shared>>
    tpu.wait_dma2 semaphore(%arg27 : memref<!tpu.dma_semaphore, #tpu.memory_space<semaphore_mem>>) src(%arg21 : memref<32x128xf32, #tpu.memory_space<vmem>>) dst(%dma_wait3A_199 : memref<32x128xf32, #tpu.memory_space<vmem_shared>>)
    %dma_wait3A_200 = arith.constant 0 : i32
    %dma_wait3A_201 = tpu.memref_slice %arg25[%mul3A_20, %dma_wait3A_200] : memref<10240x128xf32, #tpu.memory_space<vmem_shared>> -> memref<32x128xf32, #tpu.memory_space<vmem_shared>>
    %dma_wait3A_202 = arith.constant 0 : i32
    %dma_wait3A_203 = tpu.memref_slice %arg25[%mul3A_20, %dma_wait3A_202] : memref<10240x128xf32, #tpu.memory_space<vmem_shared>> -> memref<32x128xf32, #tpu.memory_space<vmem_shared>>
    tpu.wait_dma2 semaphore(%arg27 : memref<!tpu.dma_semaphore, #tpu.memory_space<semaphore_mem>>) src(%arg21 : memref<32x128xf32, #tpu.memory_space<vmem>>) dst(%dma_wait3A_203 : memref<32x128xf32, #tpu.memory_space<vmem_shared>>)
    %dma_wait3A_204 = arith.constant 0 : i32
    %dma_wait3A_205 = tpu.memref_slice %arg25[%mul3A_20, %dma_wait3A_204] : memref<10240x128xf32, #tpu.memory_space<vmem_shared>> -> memref<32x128xf32, #tpu.memory_space<vmem_shared>>
    %dma_wait3A_206 = arith.constant 0 : i32
    %dma_wait3A_207 = tpu.memref_slice %arg25[%mul3A_20, %dma_wait3A_206] : memref<10240x128xf32, #tpu.memory_space<vmem_shared>> -> memref<32x128xf32, #tpu.memory_space<vmem_shared>>
    tpu.wait_dma2 semaphore(%arg27 : memref<!tpu.dma_semaphore, #tpu.memory_space<semaphore_mem>>) src(%arg21 : memref<32x128xf32, #tpu.memory_space<vmem>>) dst(%dma_wait3A_207 : memref<32x128xf32, #tpu.memory_space<vmem_shared>>)
    %dma_wait3A_208 = arith.constant 0 : i32
    %dma_wait3A_209 = tpu.memref_slice %arg25[%mul3A_20, %dma_wait3A_208] : memref<10240x128xf32, #tpu.memory_space<vmem_shared>> -> memref<32x128xf32, #tpu.memory_space<vmem_shared>>
    %dma_wait3A_210 = arith.constant 0 : i32
    %dma_wait3A_211 = tpu.memref_slice %arg25[%mul3A_20, %dma_wait3A_210] : memref<10240x128xf32, #tpu.memory_space<vmem_shared>> -> memref<32x128xf32, #tpu.memory_space<vmem_shared>>
    tpu.wait_dma2 semaphore(%arg27 : memref<!tpu.dma_semaphore, #tpu.memory_space<semaphore_mem>>) src(%arg21 : memref<32x128xf32, #tpu.memory_space<vmem>>) dst(%dma_wait3A_211 : memref<32x128xf32, #tpu.memory_space<vmem_shared>>)
    %dma_wait3A_212 = arith.constant 0 : i32
    %dma_wait3A_213 = tpu.memref_slice %arg25[%mul3A_20, %dma_wait3A_212] : memref<10240x128xf32, #tpu.memory_space<vmem_shared>> -> memref<32x128xf32, #tpu.memory_space<vmem_shared>>
    %dma_wait3A_214 = arith.constant 0 : i32
    %dma_wait3A_215 = tpu.memref_slice %arg25[%mul3A_20, %dma_wait3A_214] : memref<10240x128xf32, #tpu.memory_space<vmem_shared>> -> memref<32x128xf32, #tpu.memory_space<vmem_shared>>
    tpu.wait_dma2 semaphore(%arg27 : memref<!tpu.dma_semaphore, #tpu.memory_space<semaphore_mem>>) src(%arg21 : memref<32x128xf32, #tpu.memory_space<vmem>>) dst(%dma_wait3A_215 : memref<32x128xf32, #tpu.memory_space<vmem_shared>>)
    %dma_wait3A_216 = arith.constant 0 : i32
    %dma_wait3A_217 = tpu.memref_slice %arg25[%mul3A_20, %dma_wait3A_216] : memref<10240x128xf32, #tpu.memory_space<vmem_shared>> -> memref<32x128xf32, #tpu.memory_space<vmem_shared>>
    %dma_wait3A_218 = arith.constant 0 : i32
    %dma_wait3A_219 = tpu.memref_slice %arg25[%mul3A_20, %dma_wait3A_218] : memref<10240x128xf32, #tpu.memory_space<vmem_shared>> -> memref<32x128xf32, #tpu.memory_space<vmem_shared>>
    tpu.wait_dma2 semaphore(%arg27 : memref<!tpu.dma_semaphore, #tpu.memory_space<semaphore_mem>>) src(%arg21 : memref<32x128xf32, #tpu.memory_space<vmem>>) dst(%dma_wait3A_219 : memref<32x128xf32, #tpu.memory_space<vmem_shared>>)
    %dma_wait3A_220 = arith.constant 0 : i32
    %dma_wait3A_221 = tpu.memref_slice %arg25[%mul3A_20, %dma_wait3A_220] : memref<10240x128xf32, #tpu.memory_space<vmem_shared>> -> memref<32x128xf32, #tpu.memory_space<vmem_shared>>
    %dma_wait3A_222 = arith.constant 0 : i32
    %dma_wait3A_223 = tpu.memref_slice %arg25[%mul3A_20, %dma_wait3A_222] : memref<10240x128xf32, #tpu.memory_space<vmem_shared>> -> memref<32x128xf32, #tpu.memory_space<vmem_shared>>
    tpu.wait_dma2 semaphore(%arg27 : memref<!tpu.dma_semaphore, #tpu.memory_space<semaphore_mem>>) src(%arg21 : memref<32x128xf32, #tpu.memory_space<vmem>>) dst(%dma_wait3A_223 : memref<32x128xf32, #tpu.memory_space<vmem_shared>>)
    %dma_wait3A_224 = arith.constant 0 : i32
    %dma_wait3A_225 = tpu.memref_slice %arg25[%mul3A_20, %dma_wait3A_224] : memref<10240x128xf32, #tpu.memory_space<vmem_shared>> -> memref<32x128xf32, #tpu.memory_space<vmem_shared>>
    %dma_wait3A_226 = arith.constant 0 : i32
    %dma_wait3A_227 = tpu.memref_slice %arg25[%mul3A_20, %dma_wait3A_226] : memref<10240x128xf32, #tpu.memory_space<vmem_shared>> -> memref<32x128xf32, #tpu.memory_space<vmem_shared>>
    tpu.wait_dma2 semaphore(%arg27 : memref<!tpu.dma_semaphore, #tpu.memory_space<semaphore_mem>>) src(%arg21 : memref<32x128xf32, #tpu.memory_space<vmem>>) dst(%dma_wait3A_227 : memref<32x128xf32, #tpu.memory_space<vmem_shared>>)
    %dma_wait3A_228 = arith.constant 0 : i32
    %dma_wait3A_229 = tpu.memref_slice %arg25[%mul3A_20, %dma_wait3A_228] : memref<10240x128xf32, #tpu.memory_space<vmem_shared>> -> memref<32x128xf32, #tpu.memory_space<vmem_shared>>
    %dma_wait3A_230 = arith.constant 0 : i32
    %dma_wait3A_231 = tpu.memref_slice %arg25[%mul3A_20, %dma_wait3A_230] : memref<10240x128xf32, #tpu.memory_space<vmem_shared>> -> memref<32x128xf32, #tpu.memory_space<vmem_shared>>
    tpu.wait_dma2 semaphore(%arg27 : memref<!tpu.dma_semaphore, #tpu.memory_space<semaphore_mem>>) src(%arg21 : memref<32x128xf32, #tpu.memory_space<vmem>>) dst(%dma_wait3A_231 : memref<32x128xf32, #tpu.memory_space<vmem_shared>>)
    %dma_wait3A_232 = arith.constant 0 : i32
    %dma_wait3A_233 = tpu.memref_slice %arg25[%mul3A_20, %dma_wait3A_232] : memref<10240x128xf32, #tpu.memory_space<vmem_shared>> -> memref<32x128xf32, #tpu.memory_space<vmem_shared>>
    %dma_wait3A_234 = arith.constant 0 : i32
    %dma_wait3A_235 = tpu.memref_slice %arg25[%mul3A_20, %dma_wait3A_234] : memref<10240x128xf32, #tpu.memory_space<vmem_shared>> -> memref<32x128xf32, #tpu.memory_space<vmem_shared>>
    tpu.wait_dma2 semaphore(%arg27 : memref<!tpu.dma_semaphore, #tpu.memory_space<semaphore_mem>>) src(%arg21 : memref<32x128xf32, #tpu.memory_space<vmem>>) dst(%dma_wait3A_235 : memref<32x128xf32, #tpu.memory_space<vmem_shared>>)
    %dma_wait3A_236 = arith.constant 0 : i32
    %dma_wait3A_237 = tpu.memref_slice %arg25[%mul3A_20, %dma_wait3A_236] : memref<10240x128xf32, #tpu.memory_space<vmem_shared>> -> memref<32x128xf32, #tpu.memory_space<vmem_shared>>
    %dma_wait3A_238 = arith.constant 0 : i32
    %dma_wait3A_239 = tpu.memref_slice %arg25[%mul3A_20, %dma_wait3A_238] : memref<10240x128xf32, #tpu.memory_space<vmem_shared>> -> memref<32x128xf32, #tpu.memory_space<vmem_shared>>
    tpu.wait_dma2 semaphore(%arg27 : memref<!tpu.dma_semaphore, #tpu.memory_space<semaphore_mem>>) src(%arg21 : memref<32x128xf32, #tpu.memory_space<vmem>>) dst(%dma_wait3A_239 : memref<32x128xf32, #tpu.memory_space<vmem_shared>>)
    %dma_wait3A_240 = arith.constant 0 : i32
    %dma_wait3A_241 = tpu.memref_slice %arg25[%mul3A_20, %dma_wait3A_240] : memref<10240x128xf32, #tpu.memory_space<vmem_shared>> -> memref<32x128xf32, #tpu.memory_space<vmem_shared>>
    %dma_wait3A_242 = arith.constant 0 : i32
    %dma_wait3A_243 = tpu.memref_slice %arg25[%mul3A_20, %dma_wait3A_242] : memref<10240x128xf32, #tpu.memory_space<vmem_shared>> -> memref<32x128xf32, #tpu.memory_space<vmem_shared>>
    tpu.wait_dma2 semaphore(%arg27 : memref<!tpu.dma_semaphore, #tpu.memory_space<semaphore_mem>>) src(%arg21 : memref<32x128xf32, #tpu.memory_space<vmem>>) dst(%dma_wait3A_243 : memref<32x128xf32, #tpu.memory_space<vmem_shared>>)
    %dma_wait3A_244 = arith.constant 0 : i32
    %dma_wait3A_245 = tpu.memref_slice %arg25[%mul3A_20, %dma_wait3A_244] : memref<10240x128xf32, #tpu.memory_space<vmem_shared>> -> memref<32x128xf32, #tpu.memory_space<vmem_shared>>
    %dma_wait3A_246 = arith.constant 0 : i32
    %dma_wait3A_247 = tpu.memref_slice %arg25[%mul3A_20, %dma_wait3A_246] : memref<10240x128xf32, #tpu.memory_space<vmem_shared>> -> memref<32x128xf32, #tpu.memory_space<vmem_shared>>
    tpu.wait_dma2 semaphore(%arg27 : memref<!tpu.dma_semaphore, #tpu.memory_space<semaphore_mem>>) src(%arg21 : memref<32x128xf32, #tpu.memory_space<vmem>>) dst(%dma_wait3A_247 : memref<32x128xf32, #tpu.memory_space<vmem_shared>>)
    %dma_wait3A_248 = arith.constant 0 : i32
    %dma_wait3A_249 = tpu.memref_slice %arg25[%mul3A_20, %dma_wait3A_248] : memref<10240x128xf32, #tpu.memory_space<vmem_shared>> -> memref<32x128xf32, #tpu.memory_space<vmem_shared>>
    %dma_wait3A_250 = arith.constant 0 : i32
    %dma_wait3A_251 = tpu.memref_slice %arg25[%mul3A_20, %dma_wait3A_250] : memref<10240x128xf32, #tpu.memory_space<vmem_shared>> -> memref<32x128xf32, #tpu.memory_space<vmem_shared>>
    tpu.wait_dma2 semaphore(%arg27 : memref<!tpu.dma_semaphore, #tpu.memory_space<semaphore_mem>>) src(%arg21 : memref<32x128xf32, #tpu.memory_space<vmem>>) dst(%dma_wait3A_251 : memref<32x128xf32, #tpu.memory_space<vmem_shared>>)
    %dma_wait3A_252 = arith.constant 0 : i32
    %dma_wait3A_253 = tpu.memref_slice %arg25[%mul3A_20, %dma_wait3A_252] : memref<10240x128xf32, #tpu.memory_space<vmem_shared>> -> memref<32x128xf32, #tpu.memory_space<vmem_shared>>
    %dma_wait3A_254 = arith.constant 0 : i32
    %dma_wait3A_255 = tpu.memref_slice %arg25[%mul3A_20, %dma_wait3A_254] : memref<10240x128xf32, #tpu.memory_space<vmem_shared>> -> memref<32x128xf32, #tpu.memory_space<vmem_shared>>
    tpu.wait_dma2 semaphore(%arg27 : memref<!tpu.dma_semaphore, #tpu.memory_space<semaphore_mem>>) src(%arg21 : memref<32x128xf32, #tpu.memory_space<vmem>>) dst(%dma_wait3A_255 : memref<32x128xf32, #tpu.memory_space<vmem_shared>>)
    %dma_wait3A_256 = arith.constant 0 : i32
    %dma_wait3A_257 = tpu.memref_slice %arg25[%mul3A_20, %dma_wait3A_256] : memref<10240x128xf32, #tpu.memory_space<vmem_shared>> -> memref<32x128xf32, #tpu.memory_space<vmem_shared>>
    %dma_wait3A_258 = arith.constant 0 : i32
    %dma_wait3A_259 = tpu.memref_slice %arg25[%mul3A_20, %dma_wait3A_258] : memref<10240x128xf32, #tpu.memory_space<vmem_shared>> -> memref<32x128xf32, #tpu.memory_space<vmem_shared>>
    tpu.wait_dma2 semaphore(%arg27 : memref<!tpu.dma_semaphore, #tpu.memory_space<semaphore_mem>>) src(%arg21 : memref<32x128xf32, #tpu.memory_space<vmem>>) dst(%dma_wait3A_259 : memref<32x128xf32, #tpu.memory_space<vmem_shared>>)
    %dma_wait3A_260 = arith.constant 0 : i32
    %dma_wait3A_261 = tpu.memref_slice %arg25[%mul3A_20, %dma_wait3A_260] : memref<10240x128xf32, #tpu.memory_space<vmem_shared>> -> memref<32x128xf32, #tpu.memory_space<vmem_shared>>
    %dma_wait3A_262 = arith.constant 0 : i32
    %dma_wait3A_263 = tpu.memref_slice %arg25[%mul3A_20, %dma_wait3A_262] : memref<10240x128xf32, #tpu.memory_space<vmem_shared>> -> memref<32x128xf32, #tpu.memory_space<vmem_shared>>
    tpu.wait_dma2 semaphore(%arg27 : memref<!tpu.dma_semaphore, #tpu.memory_space<semaphore_mem>>) src(%arg21 : memref<32x128xf32, #tpu.memory_space<vmem>>) dst(%dma_wait3A_263 : memref<32x128xf32, #tpu.memory_space<vmem_shared>>)
    %dma_wait3A_264 = arith.constant 0 : i32
    %dma_wait3A_265 = tpu.memref_slice %arg25[%mul3A_20, %dma_wait3A_264] : memref<10240x128xf32, #tpu.memory_space<vmem_shared>> -> memref<32x128xf32, #tpu.memory_space<vmem_shared>>
    %dma_wait3A_266 = arith.constant 0 : i32
    %dma_wait3A_267 = tpu.memref_slice %arg25[%mul3A_20, %dma_wait3A_266] : memref<10240x128xf32, #tpu.memory_space<vmem_shared>> -> memref<32x128xf32, #tpu.memory_space<vmem_shared>>
    tpu.wait_dma2 semaphore(%arg27 : memref<!tpu.dma_semaphore, #tpu.memory_space<semaphore_mem>>) src(%arg21 : memref<32x128xf32, #tpu.memory_space<vmem>>) dst(%dma_wait3A_267 : memref<32x128xf32, #tpu.memory_space<vmem_shared>>)
    %dma_wait3A_268 = arith.constant 0 : i32
    %dma_wait3A_269 = tpu.memref_slice %arg25[%mul3A_20, %dma_wait3A_268] : memref<10240x128xf32, #tpu.memory_space<vmem_shared>> -> memref<32x128xf32, #tpu.memory_space<vmem_shared>>
    %dma_wait3A_270 = arith.constant 0 : i32
    %dma_wait3A_271 = tpu.memref_slice %arg25[%mul3A_20, %dma_wait3A_270] : memref<10240x128xf32, #tpu.memory_space<vmem_shared>> -> memref<32x128xf32, #tpu.memory_space<vmem_shared>>
    tpu.wait_dma2 semaphore(%arg27 : memref<!tpu.dma_semaphore, #tpu.memory_space<semaphore_mem>>) src(%arg21 : memref<32x128xf32, #tpu.memory_space<vmem>>) dst(%dma_wait3A_271 : memref<32x128xf32, #tpu.memory_space<vmem_shared>>)
    %dma_wait3A_272 = arith.constant 0 : i32
    %dma_wait3A_273 = tpu.memref_slice %arg25[%mul3A_20, %dma_wait3A_272] : memref<10240x128xf32, #tpu.memory_space<vmem_shared>> -> memref<32x128xf32, #tpu.memory_space<vmem_shared>>
    %dma_wait3A_274 = arith.constant 0 : i32
    %dma_wait3A_275 = tpu.memref_slice %arg25[%mul3A_20, %dma_wait3A_274] : memref<10240x128xf32, #tpu.memory_space<vmem_shared>> -> memref<32x128xf32, #tpu.memory_space<vmem_shared>>
    tpu.wait_dma2 semaphore(%arg27 : memref<!tpu.dma_semaphore, #tpu.memory_space<semaphore_mem>>) src(%arg21 : memref<32x128xf32, #tpu.memory_space<vmem>>) dst(%dma_wait3A_275 : memref<32x128xf32, #tpu.memory_space<vmem_shared>>)
    %barrier3A = arith.constant 0 : index
    tpu.barrier barrier_id(%barrier3A)
    %scan3A_276 = arith.constant 0 : i32
    %scan3A_277 = arith.constant 0 : i32
    %scan3A_278 = arith.constant 39 : i32
    %scan3A_279 = arith.addi %scan3A_277, %scan3A_278 : i32
    %scan3A_280 = arith.constant 1 : i32
    %scan3A_281 = scf.for %scan3A_296 = %scan3A_277 to %scan3A_279 step %scan3A_280 iter_args(%scan3A_297 = %scan3A_276) -> (i32)  : i32 {
      %mul3A_298 = arith.constant 8 : i32
      %mul3A_299 = arith.muli %scan3A_296, %mul3A_298 : i32
      %add3A_300 = arith.constant 0 : i32
      %add3A_301 = arith.addi %mul3A_299, %add3A_300 : i32
      %dma_wait3A_302 = arith.constant 0 : i32
      %dma_wait3A_303 = tpu.memref_slice %arg5[%dma_wait3A_302] : memref<10000xi32, #tpu.memory_space<vmem>> -> memref<32xi32, #tpu.memory_space<vmem>>
      %dma_wait3A_304 = arith.constant 0 : i32
      %dma_wait3A_305 = arith.constant 0 : i32
      %dma_wait3A_306 = tpu.memref_slice %arg2[%dma_wait3A_304, %dma_wait3A_305] : memref<10000x128xf32, #tpu.memory_space<hbm>> -> memref<10000x128xf32, #tpu.memory_space<hbm>>
      tpu.wait_indirect_dma semaphore(%arg36 : memref<!tpu.dma_semaphore, #tpu.memory_space<semaphore_mem>>) src(%dma_wait3A_306 : memref<10000x128xf32, #tpu.memory_space<hbm>>) dst(%arg14 : memref<32x128xf32, #tpu.memory_space<vmem>>)
      %dma_wait3A_307 = tpu.memref_slice %arg3[%mul3A_2] : memref<640000xi32, #tpu.memory_space<hbm>> -> memref<32xi32, #tpu.memory_space<hbm>>
      %dma_wait3A_308 = tpu.memref_slice %arg3[%mul3A_2] : memref<640000xi32, #tpu.memory_space<hbm>> -> memref<32xi32, #tpu.memory_space<hbm>>
      tpu.wait_dma2 semaphore(%arg28 : memref<!tpu.dma_semaphore, #tpu.memory_space<semaphore_mem>>) src(%dma_wait3A_308 : memref<32xi32, #tpu.memory_space<hbm>>) dst(%arg6 : memref<32xi32, #tpu.memory_space<vmem>>)
      %dma_start3A_309 = arith.constant 0 : i32
      %dma_start3A_310 = arith.constant 0 : i32
      %dma_start3A_311 = tpu.memref_slice %arg25[%dma_start3A_309, %dma_start3A_310] : memref<10240x128xf32, #tpu.memory_space<vmem_shared>> -> memref<10240x128xf32, #tpu.memory_space<vmem_shared>>
      tpu.enqueue_indirect_dma source(%arg14 : memref<32x128xf32, #tpu.memory_space<vmem>>) target(%dma_start3A_311 : memref<10240x128xf32, #tpu.memory_space<vmem_shared>>) offsets(%arg6 : memref<32xi32, #tpu.memory_space<vmem>>) semaphore(%arg44 : memref<!tpu.dma_semaphore, #tpu.memory_space<semaphore_mem>>) {add = true}
      %gt3A = arith.constant 0 : i32
      %gt3A_312 = arith.cmpi sgt, %scan3A_296, %gt3A : i32
      %convert_element_type3A = arith.extui %gt3A_312 : i1 to i32
      %cond3A = arith.constant 0 : i32
      %cond3A_313 = arith.cmpi ne, %convert_element_type3A, %cond3A : i32
      scf.if %cond3A_313 {
        %dma_wait3A_537 = arith.constant 0 : i32
        %dma_wait3A_538 = arith.constant 0 : i32
        %dma_wait3A_539 = tpu.memref_slice %arg25[%dma_wait3A_537, %dma_wait3A_538] : memref<10240x128xf32, #tpu.memory_space<vmem_shared>> -> memref<10240x128xf32, #tpu.memory_space<vmem_shared>>
        tpu.wait_indirect_dma semaphore(%arg50 : memref<!tpu.dma_semaphore, #tpu.memory_space<semaphore_mem>>) src(%arg20 : memref<32x128xf32, #tpu.memory_space<vmem>>) dst(%dma_wait3A_539 : memref<10240x128xf32, #tpu.memory_space<vmem_shared>>)
      } else {
      }
      %add3A_314 = arith.constant 6 : i32
      %add3A_315 = arith.addi %add3A_301, %add3A_314 : i32
      %mul3A_316 = arith.constant 32 : i32
      %mul3A_317 = arith.muli %add3A_315, %mul3A_316 : i32
      %dma_start3A_318 = tpu.memref_slice %arg5[%mul3A_317] : memref<10000xi32, #tpu.memory_space<vmem>> -> memref<32xi32, #tpu.memory_space<vmem>>
      %dma_start3A_319 = arith.constant 0 : i32
      %dma_start3A_320 = arith.constant 0 : i32
      %dma_start3A_321 = tpu.memref_slice %arg2[%dma_start3A_319, %dma_start3A_320] : memref<10000x128xf32, #tpu.memory_space<hbm>> -> memref<10000x128xf32, #tpu.memory_space<hbm>>
      tpu.enqueue_indirect_dma source(%dma_start3A_321 : memref<10000x128xf32, #tpu.memory_space<hbm>>) target(%arg20 : memref<32x128xf32, #tpu.memory_space<vmem>>) offsets(%dma_start3A_318 : memref<32xi32, #tpu.memory_space<vmem>>) semaphore(%arg42 : memref<!tpu.dma_semaphore, #tpu.memory_space<semaphore_mem>>)
      %add3A_322 = arith.constant 4 : i32
      %add3A_323 = arith.addi %add3A_301, %add3A_322 : i32
      %add3A_324 = arith.constant 320000 : i32
      %add3A_325 = arith.addi %add3A_324, %mul3A_2 : i32
      %mul3A_326 = arith.constant 32 : i32
      %mul3A_327 = arith.muli %add3A_323, %mul3A_326 : i32
      %add3A_328 = arith.addi %add3A_325, %mul3A_327 : i32
      %dma_start3A_329 = tpu.memref_slice %arg3[%add3A_328] : memref<640000xi32, #tpu.memory_space<hbm>> -> memref<32xi32, #tpu.memory_space<hbm>>
      %dma_start3A_330 = tpu.memref_slice %arg3[%add3A_328] : memref<640000xi32, #tpu.memory_space<hbm>> -> memref<32xi32, #tpu.memory_space<hbm>>
      tpu.enqueue_dma source(%dma_start3A_330 : memref<32xi32, #tpu.memory_space<hbm>>) target(%arg10 : memref<32xi32, #tpu.memory_space<vmem>>) target_semaphore(%arg32 : memref<!tpu.dma_semaphore, #tpu.memory_space<semaphore_mem>>)
      %mul3A_331 = arith.constant 8 : i32
      %mul3A_332 = arith.muli %scan3A_296, %mul3A_331 : i32
      %add3A_333 = arith.constant 1 : i32
      %add3A_334 = arith.addi %mul3A_332, %add3A_333 : i32
      %dma_wait3A_335 = arith.constant 0 : i32
      %dma_wait3A_336 = tpu.memref_slice %arg5[%dma_wait3A_335] : memref<10000xi32, #tpu.memory_space<vmem>> -> memref<32xi32, #tpu.memory_space<vmem>>
      %dma_wait3A_337 = arith.constant 0 : i32
      %dma_wait3A_338 = arith.constant 0 : i32
      %dma_wait3A_339 = tpu.memref_slice %arg2[%dma_wait3A_337, %dma_wait3A_338] : memref<10000x128xf32, #tpu.memory_space<hbm>> -> memref<10000x128xf32, #tpu.memory_space<hbm>>
      tpu.wait_indirect_dma semaphore(%arg37 : memref<!tpu.dma_semaphore, #tpu.memory_space<semaphore_mem>>) src(%dma_wait3A_339 : memref<10000x128xf32, #tpu.memory_space<hbm>>) dst(%arg15 : memref<32x128xf32, #tpu.memory_space<vmem>>)
      %dma_wait3A_340 = tpu.memref_slice %arg3[%mul3A_2] : memref<640000xi32, #tpu.memory_space<hbm>> -> memref<32xi32, #tpu.memory_space<hbm>>
      %dma_wait3A_341 = tpu.memref_slice %arg3[%mul3A_2] : memref<640000xi32, #tpu.memory_space<hbm>> -> memref<32xi32, #tpu.memory_space<hbm>>
      tpu.wait_dma2 semaphore(%arg29 : memref<!tpu.dma_semaphore, #tpu.memory_space<semaphore_mem>>) src(%dma_wait3A_341 : memref<32xi32, #tpu.memory_space<hbm>>) dst(%arg7 : memref<32xi32, #tpu.memory_space<vmem>>)
      %dma_start3A_342 = arith.constant 0 : i32
      %dma_start3A_343 = arith.constant 0 : i32
      %dma_start3A_344 = tpu.memref_slice %arg25[%dma_start3A_342, %dma_start3A_343] : memref<10240x128xf32, #tpu.memory_space<vmem_shared>> -> memref<10240x128xf32, #tpu.memory_space<vmem_shared>>
      tpu.enqueue_indirect_dma source(%arg15 : memref<32x128xf32, #tpu.memory_space<vmem>>) target(%dma_start3A_344 : memref<10240x128xf32, #tpu.memory_space<vmem_shared>>) offsets(%arg7 : memref<32xi32, #tpu.memory_space<vmem>>) semaphore(%arg45 : memref<!tpu.dma_semaphore, #tpu.memory_space<semaphore_mem>>) {add = true}
      %gt3A_345 = arith.constant 0 : i32
      %gt3A_346 = arith.cmpi sgt, %scan3A_296, %gt3A_345 : i32
      %convert_element_type3A_347 = arith.extui %gt3A_346 : i1 to i32
      %cond3A_348 = arith.constant 0 : i32
      %cond3A_349 = arith.cmpi ne, %convert_element_type3A_347, %cond3A_348 : i32
      scf.if %cond3A_349 {
        %dma_wait3A_537 = arith.constant 0 : i32
        %dma_wait3A_538 = arith.constant 0 : i32
        %dma_wait3A_539 = tpu.memref_slice %arg25[%dma_wait3A_537, %dma_wait3A_538] : memref<10240x128xf32, #tpu.memory_space<vmem_shared>> -> memref<10240x128xf32, #tpu.memory_space<vmem_shared>>
        tpu.wait_indirect_dma semaphore(%arg51 : memref<!tpu.dma_semaphore, #tpu.memory_space<semaphore_mem>>) src(%arg21 : memref<32x128xf32, #tpu.memory_space<vmem>>) dst(%dma_wait3A_539 : memref<10240x128xf32, #tpu.memory_space<vmem_shared>>)
      } else {
      }
      %add3A_350 = arith.constant 6 : i32
      %add3A_351 = arith.addi %add3A_334, %add3A_350 : i32
      %mul3A_352 = arith.constant 32 : i32
      %mul3A_353 = arith.muli %add3A_351, %mul3A_352 : i32
      %dma_start3A_354 = tpu.memref_slice %arg5[%mul3A_353] : memref<10000xi32, #tpu.memory_space<vmem>> -> memref<32xi32, #tpu.memory_space<vmem>>
      %dma_start3A_355 = arith.constant 0 : i32
      %dma_start3A_356 = arith.constant 0 : i32
      %dma_start3A_357 = tpu.memref_slice %arg2[%dma_start3A_355, %dma_start3A_356] : memref<10000x128xf32, #tpu.memory_space<hbm>> -> memref<10000x128xf32, #tpu.memory_space<hbm>>
      tpu.enqueue_indirect_dma source(%dma_start3A_357 : memref<10000x128xf32, #tpu.memory_space<hbm>>) target(%arg21 : memref<32x128xf32, #tpu.memory_space<vmem>>) offsets(%dma_start3A_354 : memref<32xi32, #tpu.memory_space<vmem>>) semaphore(%arg43 : memref<!tpu.dma_semaphore, #tpu.memory_space<semaphore_mem>>)
      %add3A_358 = arith.constant 4 : i32
      %add3A_359 = arith.addi %add3A_334, %add3A_358 : i32
      %add3A_360 = arith.constant 320000 : i32
      %add3A_361 = arith.addi %add3A_360, %mul3A_2 : i32
      %mul3A_362 = arith.constant 32 : i32
      %mul3A_363 = arith.muli %add3A_359, %mul3A_362 : i32
      %add3A_364 = arith.addi %add3A_361, %mul3A_363 : i32
      %dma_start3A_365 = tpu.memref_slice %arg3[%add3A_364] : memref<640000xi32, #tpu.memory_space<hbm>> -> memref<32xi32, #tpu.memory_space<hbm>>
      %dma_start3A_366 = tpu.memref_slice %arg3[%add3A_364] : memref<640000xi32, #tpu.memory_space<hbm>> -> memref<32xi32, #tpu.memory_space<hbm>>
      tpu.enqueue_dma source(%dma_start3A_366 : memref<32xi32, #tpu.memory_space<hbm>>) target(%arg11 : memref<32xi32, #tpu.memory_space<vmem>>) target_semaphore(%arg33 : memref<!tpu.dma_semaphore, #tpu.memory_space<semaphore_mem>>)
      %mul3A_367 = arith.constant 8 : i32
      %mul3A_368 = arith.muli %scan3A_296, %mul3A_367 : i32
      %add3A_369 = arith.constant 2 : i32
      %add3A_370 = arith.addi %mul3A_368, %add3A_369 : i32
      %dma_wait3A_371 = arith.constant 0 : i32
      %dma_wait3A_372 = tpu.memref_slice %arg5[%dma_wait3A_371] : memref<10000xi32, #tpu.memory_space<vmem>> -> memref<32xi32, #tpu.memory_space<vmem>>
      %dma_wait3A_373 = arith.constant 0 : i32
      %dma_wait3A_374 = arith.constant 0 : i32
      %dma_wait3A_375 = tpu.memref_slice %arg2[%dma_wait3A_373, %dma_wait3A_374] : memref<10000x128xf32, #tpu.memory_space<hbm>> -> memref<10000x128xf32, #tpu.memory_space<hbm>>
      tpu.wait_indirect_dma semaphore(%arg38 : memref<!tpu.dma_semaphore, #tpu.memory_space<semaphore_mem>>) src(%dma_wait3A_375 : memref<10000x128xf32, #tpu.memory_space<hbm>>) dst(%arg16 : memref<32x128xf32, #tpu.memory_space<vmem>>)
      %dma_wait3A_376 = tpu.memref_slice %arg3[%mul3A_2] : memref<640000xi32, #tpu.memory_space<hbm>> -> memref<32xi32, #tpu.memory_space<hbm>>
      %dma_wait3A_377 = tpu.memref_slice %arg3[%mul3A_2] : memref<640000xi32, #tpu.memory_space<hbm>> -> memref<32xi32, #tpu.memory_space<hbm>>
      tpu.wait_dma2 semaphore(%arg30 : memref<!tpu.dma_semaphore, #tpu.memory_space<semaphore_mem>>) src(%dma_wait3A_377 : memref<32xi32, #tpu.memory_space<hbm>>) dst(%arg8 : memref<32xi32, #tpu.memory_space<vmem>>)
      %dma_start3A_378 = arith.constant 0 : i32
      %dma_start3A_379 = arith.constant 0 : i32
      %dma_start3A_380 = tpu.memref_slice %arg25[%dma_start3A_378, %dma_start3A_379] : memref<10240x128xf32, #tpu.memory_space<vmem_shared>> -> memref<10240x128xf32, #tpu.memory_space<vmem_shared>>
      tpu.enqueue_indirect_dma source(%arg16 : memref<32x128xf32, #tpu.memory_space<vmem>>) target(%dma_start3A_380 : memref<10240x128xf32, #tpu.memory_space<vmem_shared>>) offsets(%arg8 : memref<32xi32, #tpu.memory_space<vmem>>) semaphore(%arg46 : memref<!tpu.dma_semaphore, #tpu.memory_space<semaphore_mem>>) {add = true}
      %dma_wait3A_381 = arith.constant 0 : i32
      %dma_wait3A_382 = arith.constant 0 : i32
      %dma_wait3A_383 = tpu.memref_slice %arg25[%dma_wait3A_381, %dma_wait3A_382] : memref<10240x128xf32, #tpu.memory_space<vmem_shared>> -> memref<10240x128xf32, #tpu.memory_space<vmem_shared>>
      tpu.wait_indirect_dma semaphore(%arg44 : memref<!tpu.dma_semaphore, #tpu.memory_space<semaphore_mem>>) src(%arg14 : memref<32x128xf32, #tpu.memory_space<vmem>>) dst(%dma_wait3A_383 : memref<10240x128xf32, #tpu.memory_space<vmem_shared>>)
      %lt3A = arith.constant 38 : i32
      %lt3A_384 = arith.cmpi slt, %scan3A_296, %lt3A : i32
      %convert_element_type3A_385 = arith.extui %lt3A_384 : i1 to i32
      %cond3A_386 = arith.constant 0 : i32
      %cond3A_387 = arith.cmpi ne, %convert_element_type3A_385, %cond3A_386 : i32
      scf.if %cond3A_387 {
        %add3A_537 = arith.constant 6 : i32
        %add3A_538 = arith.addi %add3A_370, %add3A_537 : i32
        %mul3A_539 = arith.constant 32 : i32
        %mul3A_540 = arith.muli %add3A_538, %mul3A_539 : i32
        %dma_start3A_541 = tpu.memref_slice %arg5[%mul3A_540] : memref<10000xi32, #tpu.memory_space<vmem>> -> memref<32xi32, #tpu.memory_space<vmem>>
        %dma_start3A_542 = arith.constant 0 : i32
        %dma_start3A_543 = arith.constant 0 : i32
        %dma_start3A_544 = tpu.memref_slice %arg2[%dma_start3A_542, %dma_start3A_543] : memref<10000x128xf32, #tpu.memory_space<hbm>> -> memref<10000x128xf32, #tpu.memory_space<hbm>>
        tpu.enqueue_indirect_dma source(%dma_start3A_544 : memref<10000x128xf32, #tpu.memory_space<hbm>>) target(%arg14 : memref<32x128xf32, #tpu.memory_space<vmem>>) offsets(%dma_start3A_541 : memref<32xi32, #tpu.memory_space<vmem>>) semaphore(%arg36 : memref<!tpu.dma_semaphore, #tpu.memory_space<semaphore_mem>>)
      } else {
      }
      %add3A_388 = arith.constant 4 : i32
      %add3A_389 = arith.addi %add3A_370, %add3A_388 : i32
      %add3A_390 = arith.constant 320000 : i32
      %add3A_391 = arith.addi %add3A_390, %mul3A_2 : i32
      %mul3A_392 = arith.constant 32 : i32
      %mul3A_393 = arith.muli %add3A_389, %mul3A_392 : i32
      %add3A_394 = arith.addi %add3A_391, %mul3A_393 : i32
      %dma_start3A_395 = tpu.memref_slice %arg3[%add3A_394] : memref<640000xi32, #tpu.memory_space<hbm>> -> memref<32xi32, #tpu.memory_space<hbm>>
      %dma_start3A_396 = tpu.memref_slice %arg3[%add3A_394] : memref<640000xi32, #tpu.memory_space<hbm>> -> memref<32xi32, #tpu.memory_space<hbm>>
      tpu.enqueue_dma source(%dma_start3A_396 : memref<32xi32, #tpu.memory_space<hbm>>) target(%arg12 : memref<32xi32, #tpu.memory_space<vmem>>) target_semaphore(%arg34 : memref<!tpu.dma_semaphore, #tpu.memory_space<semaphore_mem>>)
      %mul3A_397 = arith.constant 8 : i32
      %mul3A_398 = arith.muli %scan3A_296, %mul3A_397 : i32
      %add3A_399 = arith.constant 3 : i32
      %add3A_400 = arith.addi %mul3A_398, %add3A_399 : i32
      %dma_wait3A_401 = arith.constant 0 : i32
      %dma_wait3A_402 = tpu.memref_slice %arg5[%dma_wait3A_401] : memref<10000xi32, #tpu.memory_space<vmem>> -> memref<32xi32, #tpu.memory_space<vmem>>
      %dma_wait3A_403 = arith.constant 0 : i32
      %dma_wait3A_404 = arith.constant 0 : i32
      %dma_wait3A_405 = tpu.memref_slice %arg2[%dma_wait3A_403, %dma_wait3A_404] : memref<10000x128xf32, #tpu.memory_space<hbm>> -> memref<10000x128xf32, #tpu.memory_space<hbm>>
      tpu.wait_indirect_dma semaphore(%arg39 : memref<!tpu.dma_semaphore, #tpu.memory_space<semaphore_mem>>) src(%dma_wait3A_405 : memref<10000x128xf32, #tpu.memory_space<hbm>>) dst(%arg17 : memref<32x128xf32, #tpu.memory_space<vmem>>)
      %dma_wait3A_406 = tpu.memref_slice %arg3[%mul3A_2] : memref<640000xi32, #tpu.memory_space<hbm>> -> memref<32xi32, #tpu.memory_space<hbm>>
      %dma_wait3A_407 = tpu.memref_slice %arg3[%mul3A_2] : memref<640000xi32, #tpu.memory_space<hbm>> -> memref<32xi32, #tpu.memory_space<hbm>>
      tpu.wait_dma2 semaphore(%arg31 : memref<!tpu.dma_semaphore, #tpu.memory_space<semaphore_mem>>) src(%dma_wait3A_407 : memref<32xi32, #tpu.memory_space<hbm>>) dst(%arg9 : memref<32xi32, #tpu.memory_space<vmem>>)
      %dma_start3A_408 = arith.constant 0 : i32
      %dma_start3A_409 = arith.constant 0 : i32
      %dma_start3A_410 = tpu.memref_slice %arg25[%dma_start3A_408, %dma_start3A_409] : memref<10240x128xf32, #tpu.memory_space<vmem_shared>> -> memref<10240x128xf32, #tpu.memory_space<vmem_shared>>
      tpu.enqueue_indirect_dma source(%arg17 : memref<32x128xf32, #tpu.memory_space<vmem>>) target(%dma_start3A_410 : memref<10240x128xf32, #tpu.memory_space<vmem_shared>>) offsets(%arg9 : memref<32xi32, #tpu.memory_space<vmem>>) semaphore(%arg47 : memref<!tpu.dma_semaphore, #tpu.memory_space<semaphore_mem>>) {add = true}
      %dma_wait3A_411 = arith.constant 0 : i32
      %dma_wait3A_412 = arith.constant 0 : i32
      %dma_wait3A_413 = tpu.memref_slice %arg25[%dma_wait3A_411, %dma_wait3A_412] : memref<10240x128xf32, #tpu.memory_space<vmem_shared>> -> memref<10240x128xf32, #tpu.memory_space<vmem_shared>>
      tpu.wait_indirect_dma semaphore(%arg45 : memref<!tpu.dma_semaphore, #tpu.memory_space<semaphore_mem>>) src(%arg15 : memref<32x128xf32, #tpu.memory_space<vmem>>) dst(%dma_wait3A_413 : memref<10240x128xf32, #tpu.memory_space<vmem_shared>>)
      %lt3A_414 = arith.constant 38 : i32
      %lt3A_415 = arith.cmpi slt, %scan3A_296, %lt3A_414 : i32
      %convert_element_type3A_416 = arith.extui %lt3A_415 : i1 to i32
      %cond3A_417 = arith.constant 0 : i32
      %cond3A_418 = arith.cmpi ne, %convert_element_type3A_416, %cond3A_417 : i32
      scf.if %cond3A_418 {
        %add3A_537 = arith.constant 6 : i32
        %add3A_538 = arith.addi %add3A_400, %add3A_537 : i32
        %mul3A_539 = arith.constant 32 : i32
        %mul3A_540 = arith.muli %add3A_538, %mul3A_539 : i32
        %dma_start3A_541 = tpu.memref_slice %arg5[%mul3A_540] : memref<10000xi32, #tpu.memory_space<vmem>> -> memref<32xi32, #tpu.memory_space<vmem>>
        %dma_start3A_542 = arith.constant 0 : i32
        %dma_start3A_543 = arith.constant 0 : i32
        %dma_start3A_544 = tpu.memref_slice %arg2[%dma_start3A_542, %dma_start3A_543] : memref<10000x128xf32, #tpu.memory_space<hbm>> -> memref<10000x128xf32, #tpu.memory_space<hbm>>
        tpu.enqueue_indirect_dma source(%dma_start3A_544 : memref<10000x128xf32, #tpu.memory_space<hbm>>) target(%arg15 : memref<32x128xf32, #tpu.memory_space<vmem>>) offsets(%dma_start3A_541 : memref<32xi32, #tpu.memory_space<vmem>>) semaphore(%arg37 : memref<!tpu.dma_semaphore, #tpu.memory_space<semaphore_mem>>)
      } else {
      }
      %add3A_419 = arith.constant 4 : i32
      %add3A_420 = arith.addi %add3A_400, %add3A_419 : i32
      %add3A_421 = arith.constant 320000 : i32
      %add3A_422 = arith.addi %add3A_421, %mul3A_2 : i32
      %mul3A_423 = arith.constant 32 : i32
      %mul3A_424 = arith.muli %add3A_420, %mul3A_423 : i32
      %add3A_425 = arith.addi %add3A_422, %mul3A_424 : i32
      %dma_start3A_426 = tpu.memref_slice %arg3[%add3A_425] : memref<640000xi32, #tpu.memory_space<hbm>> -> memref<32xi32, #tpu.memory_space<hbm>>
      %dma_start3A_427 = tpu.memref_slice %arg3[%add3A_425] : memref<640000xi32, #tpu.memory_space<hbm>> -> memref<32xi32, #tpu.memory_space<hbm>>
      tpu.enqueue_dma source(%dma_start3A_427 : memref<32xi32, #tpu.memory_space<hbm>>) target(%arg13 : memref<32xi32, #tpu.memory_space<vmem>>) target_semaphore(%arg35 : memref<!tpu.dma_semaphore, #tpu.memory_space<semaphore_mem>>)
      %mul3A_428 = arith.constant 8 : i32
      %mul3A_429 = arith.muli %scan3A_296, %mul3A_428 : i32
      %add3A_430 = arith.constant 4 : i32
      %add3A_431 = arith.addi %mul3A_429, %add3A_430 : i32
      %dma_wait3A_432 = arith.constant 0 : i32
      %dma_wait3A_433 = tpu.memref_slice %arg5[%dma_wait3A_432] : memref<10000xi32, #tpu.memory_space<vmem>> -> memref<32xi32, #tpu.memory_space<vmem>>
      %dma_wait3A_434 = arith.constant 0 : i32
      %dma_wait3A_435 = arith.constant 0 : i32
      %dma_wait3A_436 = tpu.memref_slice %arg2[%dma_wait3A_434, %dma_wait3A_435] : memref<10000x128xf32, #tpu.memory_space<hbm>> -> memref<10000x128xf32, #tpu.memory_space<hbm>>
      tpu.wait_indirect_dma semaphore(%arg40 : memref<!tpu.dma_semaphore, #tpu.memory_space<semaphore_mem>>) src(%dma_wait3A_436 : memref<10000x128xf32, #tpu.memory_space<hbm>>) dst(%arg18 : memref<32x128xf32, #tpu.memory_space<vmem>>)
      %dma_wait3A_437 = tpu.memref_slice %arg3[%mul3A_2] : memref<640000xi32, #tpu.memory_space<hbm>> -> memref<32xi32, #tpu.memory_space<hbm>>
      %dma_wait3A_438 = tpu.memref_slice %arg3[%mul3A_2] : memref<640000xi32, #tpu.memory_space<hbm>> -> memref<32xi32, #tpu.memory_space<hbm>>
      tpu.wait_dma2 semaphore(%arg32 : memref<!tpu.dma_semaphore, #tpu.memory_space<semaphore_mem>>) src(%dma_wait3A_438 : memref<32xi32, #tpu.memory_space<hbm>>) dst(%arg10 : memref<32xi32, #tpu.memory_space<vmem>>)
      %dma_start3A_439 = arith.constant 0 : i32
      %dma_start3A_440 = arith.constant 0 : i32
      %dma_start3A_441 = tpu.memref_slice %arg25[%dma_start3A_439, %dma_start3A_440] : memref<10240x128xf32, #tpu.memory_space<vmem_shared>> -> memref<10240x128xf32, #tpu.memory_space<vmem_shared>>
      tpu.enqueue_indirect_dma source(%arg18 : memref<32x128xf32, #tpu.memory_space<vmem>>) target(%dma_start3A_441 : memref<10240x128xf32, #tpu.memory_space<vmem_shared>>) offsets(%arg10 : memref<32xi32, #tpu.memory_space<vmem>>) semaphore(%arg48 : memref<!tpu.dma_semaphore, #tpu.memory_space<semaphore_mem>>) {add = true}
      %dma_wait3A_442 = arith.constant 0 : i32
      %dma_wait3A_443 = arith.constant 0 : i32
      %dma_wait3A_444 = tpu.memref_slice %arg25[%dma_wait3A_442, %dma_wait3A_443] : memref<10240x128xf32, #tpu.memory_space<vmem_shared>> -> memref<10240x128xf32, #tpu.memory_space<vmem_shared>>
      tpu.wait_indirect_dma semaphore(%arg46 : memref<!tpu.dma_semaphore, #tpu.memory_space<semaphore_mem>>) src(%arg16 : memref<32x128xf32, #tpu.memory_space<vmem>>) dst(%dma_wait3A_444 : memref<10240x128xf32, #tpu.memory_space<vmem_shared>>)
      %lt3A_445 = arith.constant 38 : i32
      %lt3A_446 = arith.cmpi slt, %scan3A_296, %lt3A_445 : i32
      %convert_element_type3A_447 = arith.extui %lt3A_446 : i1 to i32
      %cond3A_448 = arith.constant 0 : i32
      %cond3A_449 = arith.cmpi ne, %convert_element_type3A_447, %cond3A_448 : i32
      scf.if %cond3A_449 {
        %add3A_537 = arith.constant 6 : i32
        %add3A_538 = arith.addi %add3A_431, %add3A_537 : i32
        %mul3A_539 = arith.constant 32 : i32
        %mul3A_540 = arith.muli %add3A_538, %mul3A_539 : i32
        %dma_start3A_541 = tpu.memref_slice %arg5[%mul3A_540] : memref<10000xi32, #tpu.memory_space<vmem>> -> memref<32xi32, #tpu.memory_space<vmem>>
        %dma_start3A_542 = arith.constant 0 : i32
        %dma_start3A_543 = arith.constant 0 : i32
        %dma_start3A_544 = tpu.memref_slice %arg2[%dma_start3A_542, %dma_start3A_543] : memref<10000x128xf32, #tpu.memory_space<hbm>> -> memref<10000x128xf32, #tpu.memory_space<hbm>>
        tpu.enqueue_indirect_dma source(%dma_start3A_544 : memref<10000x128xf32, #tpu.memory_space<hbm>>) target(%arg16 : memref<32x128xf32, #tpu.memory_space<vmem>>) offsets(%dma_start3A_541 : memref<32xi32, #tpu.memory_space<vmem>>) semaphore(%arg38 : memref<!tpu.dma_semaphore, #tpu.memory_space<semaphore_mem>>)
      } else {
      }
      %lt3A_450 = arith.constant 38 : i32
      %lt3A_451 = arith.cmpi slt, %scan3A_296, %lt3A_450 : i32
      %convert_element_type3A_452 = arith.extui %lt3A_451 : i1 to i32
      %cond3A_453 = arith.constant 0 : i32
      %cond3A_454 = arith.cmpi ne, %convert_element_type3A_452, %cond3A_453 : i32
      scf.if %cond3A_454 {
        %add3A_537 = arith.constant 4 : i32
        %add3A_538 = arith.addi %add3A_431, %add3A_537 : i32
        %add3A_539 = arith.constant 320000 : i32
        %add3A_540 = arith.addi %add3A_539, %mul3A_2 : i32
        %mul3A_541 = arith.constant 32 : i32
        %mul3A_542 = arith.muli %add3A_538, %mul3A_541 : i32
        %add3A_543 = arith.addi %add3A_540, %mul3A_542 : i32
        %dma_start3A_544 = tpu.memref_slice %arg3[%add3A_543] : memref<640000xi32, #tpu.memory_space<hbm>> -> memref<32xi32, #tpu.memory_space<hbm>>
        %dma_start3A_545 = tpu.memref_slice %arg3[%add3A_543] : memref<640000xi32, #tpu.memory_space<hbm>> -> memref<32xi32, #tpu.memory_space<hbm>>
        tpu.enqueue_dma source(%dma_start3A_545 : memref<32xi32, #tpu.memory_space<hbm>>) target(%arg6 : memref<32xi32, #tpu.memory_space<vmem>>) target_semaphore(%arg28 : memref<!tpu.dma_semaphore, #tpu.memory_space<semaphore_mem>>)
      } else {
      }
      %mul3A_455 = arith.constant 8 : i32
      %mul3A_456 = arith.muli %scan3A_296, %mul3A_455 : i32
      %add3A_457 = arith.constant 5 : i32
      %add3A_458 = arith.addi %mul3A_456, %add3A_457 : i32
      %dma_wait3A_459 = arith.constant 0 : i32
      %dma_wait3A_460 = tpu.memref_slice %arg5[%dma_wait3A_459] : memref<10000xi32, #tpu.memory_space<vmem>> -> memref<32xi32, #tpu.memory_space<vmem>>
      %dma_wait3A_461 = arith.constant 0 : i32
      %dma_wait3A_462 = arith.constant 0 : i32
      %dma_wait3A_463 = tpu.memref_slice %arg2[%dma_wait3A_461, %dma_wait3A_462] : memref<10000x128xf32, #tpu.memory_space<hbm>> -> memref<10000x128xf32, #tpu.memory_space<hbm>>
      tpu.wait_indirect_dma semaphore(%arg41 : memref<!tpu.dma_semaphore, #tpu.memory_space<semaphore_mem>>) src(%dma_wait3A_463 : memref<10000x128xf32, #tpu.memory_space<hbm>>) dst(%arg19 : memref<32x128xf32, #tpu.memory_space<vmem>>)
      %dma_wait3A_464 = tpu.memref_slice %arg3[%mul3A_2] : memref<640000xi32, #tpu.memory_space<hbm>> -> memref<32xi32, #tpu.memory_space<hbm>>
      %dma_wait3A_465 = tpu.memref_slice %arg3[%mul3A_2] : memref<640000xi32, #tpu.memory_space<hbm>> -> memref<32xi32, #tpu.memory_space<hbm>>
      tpu.wait_dma2 semaphore(%arg33 : memref<!tpu.dma_semaphore, #tpu.memory_space<semaphore_mem>>) src(%dma_wait3A_465 : memref<32xi32, #tpu.memory_space<hbm>>) dst(%arg11 : memref<32xi32, #tpu.memory_space<vmem>>)
      %dma_start3A_466 = arith.constant 0 : i32
      %dma_start3A_467 = arith.constant 0 : i32
      %dma_start3A_468 = tpu.memref_slice %arg25[%dma_start3A_466, %dma_start3A_467] : memref<10240x128xf32, #tpu.memory_space<vmem_shared>> -> memref<10240x128xf32, #tpu.memory_space<vmem_shared>>
      tpu.enqueue_indirect_dma source(%arg19 : memref<32x128xf32, #tpu.memory_space<vmem>>) target(%dma_start3A_468 : memref<10240x128xf32, #tpu.memory_space<vmem_shared>>) offsets(%arg11 : memref<32xi32, #tpu.memory_space<vmem>>) semaphore(%arg49 : memref<!tpu.dma_semaphore, #tpu.memory_space<semaphore_mem>>) {add = true}
      %dma_wait3A_469 = arith.constant 0 : i32
      %dma_wait3A_470 = arith.constant 0 : i32
      %dma_wait3A_471 = tpu.memref_slice %arg25[%dma_wait3A_469, %dma_wait3A_470] : memref<10240x128xf32, #tpu.memory_space<vmem_shared>> -> memref<10240x128xf32, #tpu.memory_space<vmem_shared>>
      tpu.wait_indirect_dma semaphore(%arg47 : memref<!tpu.dma_semaphore, #tpu.memory_space<semaphore_mem>>) src(%arg17 : memref<32x128xf32, #tpu.memory_space<vmem>>) dst(%dma_wait3A_471 : memref<10240x128xf32, #tpu.memory_space<vmem_shared>>)
      %lt3A_472 = arith.constant 38 : i32
      %lt3A_473 = arith.cmpi slt, %scan3A_296, %lt3A_472 : i32
      %convert_element_type3A_474 = arith.extui %lt3A_473 : i1 to i32
      %cond3A_475 = arith.constant 0 : i32
      %cond3A_476 = arith.cmpi ne, %convert_element_type3A_474, %cond3A_475 : i32
      scf.if %cond3A_476 {
        %add3A_537 = arith.constant 6 : i32
        %add3A_538 = arith.addi %add3A_458, %add3A_537 : i32
        %mul3A_539 = arith.constant 32 : i32
        %mul3A_540 = arith.muli %add3A_538, %mul3A_539 : i32
        %dma_start3A_541 = tpu.memref_slice %arg5[%mul3A_540] : memref<10000xi32, #tpu.memory_space<vmem>> -> memref<32xi32, #tpu.memory_space<vmem>>
        %dma_start3A_542 = arith.constant 0 : i32
        %dma_start3A_543 = arith.constant 0 : i32
        %dma_start3A_544 = tpu.memref_slice %arg2[%dma_start3A_542, %dma_start3A_543] : memref<10000x128xf32, #tpu.memory_space<hbm>> -> memref<10000x128xf32, #tpu.memory_space<hbm>>
        tpu.enqueue_indirect_dma source(%dma_start3A_544 : memref<10000x128xf32, #tpu.memory_space<hbm>>) target(%arg17 : memref<32x128xf32, #tpu.memory_space<vmem>>) offsets(%dma_start3A_541 : memref<32xi32, #tpu.memory_space<vmem>>) semaphore(%arg39 : memref<!tpu.dma_semaphore, #tpu.memory_space<semaphore_mem>>)
      } else {
      }
      %lt3A_477 = arith.constant 38 : i32
      %lt3A_478 = arith.cmpi slt, %scan3A_296, %lt3A_477 : i32
      %convert_element_type3A_479 = arith.extui %lt3A_478 : i1 to i32
      %cond3A_480 = arith.constant 0 : i32
      %cond3A_481 = arith.cmpi ne, %convert_element_type3A_479, %cond3A_480 : i32
      scf.if %cond3A_481 {
        %add3A_537 = arith.constant 4 : i32
        %add3A_538 = arith.addi %add3A_458, %add3A_537 : i32
        %add3A_539 = arith.constant 320000 : i32
        %add3A_540 = arith.addi %add3A_539, %mul3A_2 : i32
        %mul3A_541 = arith.constant 32 : i32
        %mul3A_542 = arith.muli %add3A_538, %mul3A_541 : i32
        %add3A_543 = arith.addi %add3A_540, %mul3A_542 : i32
        %dma_start3A_544 = tpu.memref_slice %arg3[%add3A_543] : memref<640000xi32, #tpu.memory_space<hbm>> -> memref<32xi32, #tpu.memory_space<hbm>>
        %dma_start3A_545 = tpu.memref_slice %arg3[%add3A_543] : memref<640000xi32, #tpu.memory_space<hbm>> -> memref<32xi32, #tpu.memory_space<hbm>>
        tpu.enqueue_dma source(%dma_start3A_545 : memref<32xi32, #tpu.memory_space<hbm>>) target(%arg7 : memref<32xi32, #tpu.memory_space<vmem>>) target_semaphore(%arg29 : memref<!tpu.dma_semaphore, #tpu.memory_space<semaphore_mem>>)
      } else {
      }
      %mul3A_482 = arith.constant 8 : i32
      %mul3A_483 = arith.muli %scan3A_296, %mul3A_482 : i32
      %add3A_484 = arith.constant 6 : i32
      %add3A_485 = arith.addi %mul3A_483, %add3A_484 : i32
      %dma_wait3A_486 = arith.constant 0 : i32
      %dma_wait3A_487 = tpu.memref_slice %arg5[%dma_wait3A_486] : memref<10000xi32, #tpu.memory_space<vmem>> -> memref<32xi32, #tpu.memory_space<vmem>>
      %dma_wait3A_488 = arith.constant 0 : i32
      %dma_wait3A_489 = arith.constant 0 : i32
      %dma_wait3A_490 = tpu.memref_slice %arg2[%dma_wait3A_488, %dma_wait3A_489] : memref<10000x128xf32, #tpu.memory_space<hbm>> -> memref<10000x128xf32, #tpu.memory_space<hbm>>
      tpu.wait_indirect_dma semaphore(%arg42 : memref<!tpu.dma_semaphore, #tpu.memory_space<semaphore_mem>>) src(%dma_wait3A_490 : memref<10000x128xf32, #tpu.memory_space<hbm>>) dst(%arg20 : memref<32x128xf32, #tpu.memory_space<vmem>>)
      %dma_wait3A_491 = tpu.memref_slice %arg3[%mul3A_2] : memref<640000xi32, #tpu.memory_space<hbm>> -> memref<32xi32, #tpu.memory_space<hbm>>
      %dma_wait3A_492 = tpu.memref_slice %arg3[%mul3A_2] : memref<640000xi32, #tpu.memory_space<hbm>> -> memref<32xi32, #tpu.memory_space<hbm>>
      tpu.wait_dma2 semaphore(%arg34 : memref<!tpu.dma_semaphore, #tpu.memory_space<semaphore_mem>>) src(%dma_wait3A_492 : memref<32xi32, #tpu.memory_space<hbm>>) dst(%arg12 : memref<32xi32, #tpu.memory_space<vmem>>)
      %dma_start3A_493 = arith.constant 0 : i32
      %dma_start3A_494 = arith.constant 0 : i32
      %dma_start3A_495 = tpu.memref_slice %arg25[%dma_start3A_493, %dma_start3A_494] : memref<10240x128xf32, #tpu.memory_space<vmem_shared>> -> memref<10240x128xf32, #tpu.memory_space<vmem_shared>>
      tpu.enqueue_indirect_dma source(%arg20 : memref<32x128xf32, #tpu.memory_space<vmem>>) target(%dma_start3A_495 : memref<10240x128xf32, #tpu.memory_space<vmem_shared>>) offsets(%arg12 : memref<32xi32, #tpu.memory_space<vmem>>) semaphore(%arg50 : memref<!tpu.dma_semaphore, #tpu.memory_space<semaphore_mem>>) {add = true}
      %dma_wait3A_496 = arith.constant 0 : i32
      %dma_wait3A_497 = arith.constant 0 : i32
      %dma_wait3A_498 = tpu.memref_slice %arg25[%dma_wait3A_496, %dma_wait3A_497] : memref<10240x128xf32, #tpu.memory_space<vmem_shared>> -> memref<10240x128xf32, #tpu.memory_space<vmem_shared>>
      tpu.wait_indirect_dma semaphore(%arg48 : memref<!tpu.dma_semaphore, #tpu.memory_space<semaphore_mem>>) src(%arg18 : memref<32x128xf32, #tpu.memory_space<vmem>>) dst(%dma_wait3A_498 : memref<10240x128xf32, #tpu.memory_space<vmem_shared>>)
      %lt3A_499 = arith.constant 38 : i32
      %lt3A_500 = arith.cmpi slt, %scan3A_296, %lt3A_499 : i32
      %convert_element_type3A_501 = arith.extui %lt3A_500 : i1 to i32
      %cond3A_502 = arith.constant 0 : i32
      %cond3A_503 = arith.cmpi ne, %convert_element_type3A_501, %cond3A_502 : i32
      scf.if %cond3A_503 {
        %add3A_537 = arith.constant 6 : i32
        %add3A_538 = arith.addi %add3A_485, %add3A_537 : i32
        %mul3A_539 = arith.constant 32 : i32
        %mul3A_540 = arith.muli %add3A_538, %mul3A_539 : i32
        %dma_start3A_541 = tpu.memref_slice %arg5[%mul3A_540] : memref<10000xi32, #tpu.memory_space<vmem>> -> memref<32xi32, #tpu.memory_space<vmem>>
        %dma_start3A_542 = arith.constant 0 : i32
        %dma_start3A_543 = arith.constant 0 : i32
        %dma_start3A_544 = tpu.memref_slice %arg2[%dma_start3A_542, %dma_start3A_543] : memref<10000x128xf32, #tpu.memory_space<hbm>> -> memref<10000x128xf32, #tpu.memory_space<hbm>>
        tpu.enqueue_indirect_dma source(%dma_start3A_544 : memref<10000x128xf32, #tpu.memory_space<hbm>>) target(%arg18 : memref<32x128xf32, #tpu.memory_space<vmem>>) offsets(%dma_start3A_541 : memref<32xi32, #tpu.memory_space<vmem>>) semaphore(%arg40 : memref<!tpu.dma_semaphore, #tpu.memory_space<semaphore_mem>>)
      } else {
      }
      %lt3A_504 = arith.constant 38 : i32
      %lt3A_505 = arith.cmpi slt, %scan3A_296, %lt3A_504 : i32
      %convert_element_type3A_506 = arith.extui %lt3A_505 : i1 to i32
      %cond3A_507 = arith.constant 0 : i32
      %cond3A_508 = arith.cmpi ne, %convert_element_type3A_506, %cond3A_507 : i32
      scf.if %cond3A_508 {
        %add3A_537 = arith.constant 4 : i32
        %add3A_538 = arith.addi %add3A_485, %add3A_537 : i32
        %add3A_539 = arith.constant 320000 : i32
        %add3A_540 = arith.addi %add3A_539, %mul3A_2 : i32
        %mul3A_541 = arith.constant 32 : i32
        %mul3A_542 = arith.muli %add3A_538, %mul3A_541 : i32
        %add3A_543 = arith.addi %add3A_540, %mul3A_542 : i32
        %dma_start3A_544 = tpu.memref_slice %arg3[%add3A_543] : memref<640000xi32, #tpu.memory_space<hbm>> -> memref<32xi32, #tpu.memory_space<hbm>>
        %dma_start3A_545 = tpu.memref_slice %arg3[%add3A_543] : memref<640000xi32, #tpu.memory_space<hbm>> -> memref<32xi32, #tpu.memory_space<hbm>>
        tpu.enqueue_dma source(%dma_start3A_545 : memref<32xi32, #tpu.memory_space<hbm>>) target(%arg8 : memref<32xi32, #tpu.memory_space<vmem>>) target_semaphore(%arg30 : memref<!tpu.dma_semaphore, #tpu.memory_space<semaphore_mem>>)
      } else {
      }
      %mul3A_509 = arith.constant 8 : i32
      %mul3A_510 = arith.muli %scan3A_296, %mul3A_509 : i32
      %add3A_511 = arith.constant 7 : i32
      %add3A_512 = arith.addi %mul3A_510, %add3A_511 : i32
      %dma_wait3A_513 = arith.constant 0 : i32
      %dma_wait3A_514 = tpu.memref_slice %arg5[%dma_wait3A_513] : memref<10000xi32, #tpu.memory_space<vmem>> -> memref<32xi32, #tpu.memory_space<vmem>>
      %dma_wait3A_515 = arith.constant 0 : i32
      %dma_wait3A_516 = arith.constant 0 : i32
      %dma_wait3A_517 = tpu.memref_slice %arg2[%dma_wait3A_515, %dma_wait3A_516] : memref<10000x128xf32, #tpu.memory_space<hbm>> -> memref<10000x128xf32, #tpu.memory_space<hbm>>
      tpu.wait_indirect_dma semaphore(%arg43 : memref<!tpu.dma_semaphore, #tpu.memory_space<semaphore_mem>>) src(%dma_wait3A_517 : memref<10000x128xf32, #tpu.memory_space<hbm>>) dst(%arg21 : memref<32x128xf32, #tpu.memory_space<vmem>>)
      %dma_wait3A_518 = tpu.memref_slice %arg3[%mul3A_2] : memref<640000xi32, #tpu.memory_space<hbm>> -> memref<32xi32, #tpu.memory_space<hbm>>
      %dma_wait3A_519 = tpu.memref_slice %arg3[%mul3A_2] : memref<640000xi32, #tpu.memory_space<hbm>> -> memref<32xi32, #tpu.memory_space<hbm>>
      tpu.wait_dma2 semaphore(%arg35 : memref<!tpu.dma_semaphore, #tpu.memory_space<semaphore_mem>>) src(%dma_wait3A_519 : memref<32xi32, #tpu.memory_space<hbm>>) dst(%arg13 : memref<32xi32, #tpu.memory_space<vmem>>)
      %dma_start3A_520 = arith.constant 0 : i32
      %dma_start3A_521 = arith.constant 0 : i32
      %dma_start3A_522 = tpu.memref_slice %arg25[%dma_start3A_520, %dma_start3A_521] : memref<10240x128xf32, #tpu.memory_space<vmem_shared>> -> memref<10240x128xf32, #tpu.memory_space<vmem_shared>>
      tpu.enqueue_indirect_dma source(%arg21 : memref<32x128xf32, #tpu.memory_space<vmem>>) target(%dma_start3A_522 : memref<10240x128xf32, #tpu.memory_space<vmem_shared>>) offsets(%arg13 : memref<32xi32, #tpu.memory_space<vmem>>) semaphore(%arg51 : memref<!tpu.dma_semaphore, #tpu.memory_space<semaphore_mem>>) {add = true}
      %dma_wait3A_523 = arith.constant 0 : i32
      %dma_wait3A_524 = arith.constant 0 : i32
      %dma_wait3A_525 = tpu.memref_slice %arg25[%dma_wait3A_523, %dma_wait3A_524] : memref<10240x128xf32, #tpu.memory_space<vmem_shared>> -> memref<10240x128xf32, #tpu.memory_space<vmem_shared>>
      tpu.wait_indirect_dma semaphore(%arg49 : memref<!tpu.dma_semaphore, #tpu.memory_space<semaphore_mem>>) src(%arg19 : memref<32x128xf32, #tpu.memory_space<vmem>>) dst(%dma_wait3A_525 : memref<10240x128xf32, #tpu.memory_space<vmem_shared>>)
      %lt3A_526 = arith.constant 38 : i32
      %lt3A_527 = arith.cmpi slt, %scan3A_296, %lt3A_526 : i32
      %convert_element_type3A_528 = arith.extui %lt3A_527 : i1 to i32
      %cond3A_529 = arith.constant 0 : i32
      %cond3A_530 = arith.cmpi ne, %convert_element_type3A_528, %cond3A_529 : i32
      scf.if %cond3A_530 {
        %add3A_537 = arith.constant 6 : i32
        %add3A_538 = arith.addi %add3A_512, %add3A_537 : i32
        %mul3A_539 = arith.constant 32 : i32
        %mul3A_540 = arith.muli %add3A_538, %mul3A_539 : i32
        %dma_start3A_541 = tpu.memref_slice %arg5[%mul3A_540] : memref<10000xi32, #tpu.memory_space<vmem>> -> memref<32xi32, #tpu.memory_space<vmem>>
        %dma_start3A_542 = arith.constant 0 : i32
        %dma_start3A_543 = arith.constant 0 : i32
        %dma_start3A_544 = tpu.memref_slice %arg2[%dma_start3A_542, %dma_start3A_543] : memref<10000x128xf32, #tpu.memory_space<hbm>> -> memref<10000x128xf32, #tpu.memory_space<hbm>>
        tpu.enqueue_indirect_dma source(%dma_start3A_544 : memref<10000x128xf32, #tpu.memory_space<hbm>>) target(%arg19 : memref<32x128xf32, #tpu.memory_space<vmem>>) offsets(%dma_start3A_541 : memref<32xi32, #tpu.memory_space<vmem>>) semaphore(%arg41 : memref<!tpu.dma_semaphore, #tpu.memory_space<semaphore_mem>>)
      } else {
      }
      %lt3A_531 = arith.constant 38 : i32
      %lt3A_532 = arith.cmpi slt, %scan3A_296, %lt3A_531 : i32
      %convert_element_type3A_533 = arith.extui %lt3A_532 : i1 to i32
      %cond3A_534 = arith.constant 0 : i32
      %cond3A_535 = arith.cmpi ne, %convert_element_type3A_533, %cond3A_534 : i32
      scf.if %cond3A_535 {
        %add3A_537 = arith.constant 4 : i32
        %add3A_538 = arith.addi %add3A_512, %add3A_537 : i32
        %add3A_539 = arith.constant 320000 : i32
        %add3A_540 = arith.addi %add3A_539, %mul3A_2 : i32
        %mul3A_541 = arith.constant 32 : i32
        %mul3A_542 = arith.muli %add3A_538, %mul3A_541 : i32
        %add3A_543 = arith.addi %add3A_540, %mul3A_542 : i32
        %dma_start3A_544 = tpu.memref_slice %arg3[%add3A_543] : memref<640000xi32, #tpu.memory_space<hbm>> -> memref<32xi32, #tpu.memory_space<hbm>>
        %dma_start3A_545 = tpu.memref_slice %arg3[%add3A_543] : memref<640000xi32, #tpu.memory_space<hbm>> -> memref<32xi32, #tpu.memory_space<hbm>>
        tpu.enqueue_dma source(%dma_start3A_545 : memref<32xi32, #tpu.memory_space<hbm>>) target(%arg9 : memref<32xi32, #tpu.memory_space<vmem>>) target_semaphore(%arg31 : memref<!tpu.dma_semaphore, #tpu.memory_space<semaphore_mem>>)
      } else {
      }
      %scan3A_536 = arith.constant 0 : i32
      scf.yield %scan3A_536 : i32
    }
    %scan3A_282 = arith.constant 39 : i32
    %dma_wait3A_283 = tpu.memref_slice %arg3[%add3A_4] : memref<640000xi32, #tpu.memory_space<hbm>> -> memref<16xi32, #tpu.memory_space<hbm>>
    %dma_wait3A_284 = tpu.memref_slice %arg3[%add3A_4] : memref<640000xi32, #tpu.memory_space<hbm>> -> memref<16xi32, #tpu.memory_space<hbm>>
    tpu.wait_dma2 semaphore(%arg26 : memref<!tpu.dma_semaphore, #tpu.memory_space<semaphore_mem>>) src(%dma_wait3A_284 : memref<16xi32, #tpu.memory_space<hbm>>) dst(%arg22 : memref<16xi32, #tpu.memory_space<vmem>>)
    %add3A_285 = arith.constant 320000 : i32
    %add3A_286 = arith.addi %add3A_285, %add3A_4 : i32
    %dma_wait3A_287 = tpu.memref_slice %arg3[%add3A_286] : memref<640000xi32, #tpu.memory_space<hbm>> -> memref<16xi32, #tpu.memory_space<hbm>>
    %dma_wait3A_288 = tpu.memref_slice %arg3[%add3A_286] : memref<640000xi32, #tpu.memory_space<hbm>> -> memref<16xi32, #tpu.memory_space<hbm>>
    tpu.wait_dma2 semaphore(%arg26 : memref<!tpu.dma_semaphore, #tpu.memory_space<semaphore_mem>>) src(%dma_wait3A_288 : memref<16xi32, #tpu.memory_space<hbm>>) dst(%arg23 : memref<16xi32, #tpu.memory_space<vmem>>)
    "tpu.region"() ({
      %run_scoped3A = tpu.sem_alloc : memref<!tpu.dma_semaphore, #tpu.memory_space<semaphore_mem>>
      %dma_start3A_296 = arith.constant 0 : i32
      %dma_start3A_297 = arith.constant 0 : i32
      %dma_start3A_298 = tpu.memref_slice %arg2[%dma_start3A_296, %dma_start3A_297] : memref<10000x128xf32, #tpu.memory_space<hbm>> -> memref<10000x128xf32, #tpu.memory_space<hbm>>
      tpu.enqueue_indirect_dma source(%dma_start3A_298 : memref<10000x128xf32, #tpu.memory_space<hbm>>) target(%arg24 : memref<16x128xf32, #tpu.memory_space<vmem>>) offsets(%arg22 : memref<16xi32, #tpu.memory_space<vmem>>) semaphore(%run_scoped3A : memref<!tpu.dma_semaphore, #tpu.memory_space<semaphore_mem>>)
      %dma_wait3A_299 = arith.constant 0 : i32
      %dma_wait3A_300 = arith.constant 0 : i32
      %dma_wait3A_301 = tpu.memref_slice %arg2[%dma_wait3A_299, %dma_wait3A_300] : memref<10000x128xf32, #tpu.memory_space<hbm>> -> memref<10000x128xf32, #tpu.memory_space<hbm>>
      tpu.wait_indirect_dma semaphore(%run_scoped3A : memref<!tpu.dma_semaphore, #tpu.memory_space<semaphore_mem>>) src(%dma_wait3A_301 : memref<10000x128xf32, #tpu.memory_space<hbm>>) dst(%arg24 : memref<16x128xf32, #tpu.memory_space<vmem>>)
      tpu.yield
    }) : () -> ()
    "tpu.region"() ({
      %run_scoped3A = tpu.sem_alloc : memref<!tpu.dma_semaphore, #tpu.memory_space<semaphore_mem>>
      %dma_start3A_296 = arith.constant 0 : i32
      %dma_start3A_297 = arith.constant 0 : i32
      %dma_start3A_298 = tpu.memref_slice %arg25[%dma_start3A_296, %dma_start3A_297] : memref<10240x128xf32, #tpu.memory_space<vmem_shared>> -> memref<10240x128xf32, #tpu.memory_space<vmem_shared>>
      tpu.enqueue_indirect_dma source(%arg24 : memref<16x128xf32, #tpu.memory_space<vmem>>) target(%dma_start3A_298 : memref<10240x128xf32, #tpu.memory_space<vmem_shared>>) offsets(%arg23 : memref<16xi32, #tpu.memory_space<vmem>>) semaphore(%run_scoped3A : memref<!tpu.dma_semaphore, #tpu.memory_space<semaphore_mem>>) {add = true}
      %dma_wait3A_299 = arith.constant 0 : i32
      %dma_wait3A_300 = arith.constant 0 : i32
      %dma_wait3A_301 = tpu.memref_slice %arg25[%dma_wait3A_299, %dma_wait3A_300] : memref<10240x128xf32, #tpu.memory_space<vmem_shared>> -> memref<10240x128xf32, #tpu.memory_space<vmem_shared>>
      tpu.wait_indirect_dma semaphore(%run_scoped3A : memref<!tpu.dma_semaphore, #tpu.memory_space<semaphore_mem>>) src(%arg24 : memref<16x128xf32, #tpu.memory_space<vmem>>) dst(%dma_wait3A_301 : memref<10240x128xf32, #tpu.memory_space<vmem_shared>>)
      tpu.yield
    }) : () -> ()
    %dma_wait3A_289 = arith.constant 0 : i32
    %dma_wait3A_290 = arith.constant 0 : i32
    %dma_wait3A_291 = tpu.memref_slice %arg25[%dma_wait3A_289, %dma_wait3A_290] : memref<10240x128xf32, #tpu.memory_space<vmem_shared>> -> memref<10240x128xf32, #tpu.memory_space<vmem_shared>>
    tpu.wait_indirect_dma semaphore(%arg50 : memref<!tpu.dma_semaphore, #tpu.memory_space<semaphore_mem>>) src(%arg20 : memref<32x128xf32, #tpu.memory_space<vmem>>) dst(%dma_wait3A_291 : memref<10240x128xf32, #tpu.memory_space<vmem_shared>>)
    %dma_wait3A_292 = arith.constant 0 : i32
    %dma_wait3A_293 = arith.constant 0 : i32
    %dma_wait3A_294 = tpu.memref_slice %arg25[%dma_wait3A_292, %dma_wait3A_293] : memref<10240x128xf32, #tpu.memory_space<vmem_shared>> -> memref<10240x128xf32, #tpu.memory_space<vmem_shared>>
    tpu.wait_indirect_dma semaphore(%arg51 : memref<!tpu.dma_semaphore, #tpu.memory_space<semaphore_mem>>) src(%arg21 : memref<32x128xf32, #tpu.memory_space<vmem>>) dst(%dma_wait3A_294 : memref<10240x128xf32, #tpu.memory_space<vmem_shared>>)
    %barrier3A_295 = arith.constant 0 : index
    tpu.barrier barrier_id(%barrier3A_295)
    "tpu.region"() ({
      %run_scoped3A = tpu.sem_alloc : memref<!tpu.dma_semaphore, #tpu.memory_space<semaphore_mem>>
      %dma_start3A_296 = arith.constant 0 : i32
      %dma_start3A_297 = tpu.memref_slice %arg4[%arg0, %mul3A_20, %dma_start3A_296] : memref<2x10240x128xf32, #tpu.memory_space<hbm>> -> memref<1x640x128xf32, #tpu.memory_space<hbm>>
      %dma_start3A_298 = tpu.memref_squeeze %dma_start3A_297 : memref<1x640x128xf32, #tpu.memory_space<hbm>> -> memref<640x128xf32, #tpu.memory_space<hbm>>
      %dma_start3A_299 = arith.constant 0 : i32
      %dma_start3A_300 = tpu.memref_slice %arg25[%mul3A_20, %dma_start3A_299] : memref<10240x128xf32, #tpu.memory_space<vmem_shared>> -> memref<640x128xf32, #tpu.memory_space<vmem_shared>>
      tpu.enqueue_dma source(%dma_start3A_300 : memref<640x128xf32, #tpu.memory_space<vmem_shared>>) target(%dma_start3A_298 : memref<640x128xf32, #tpu.memory_space<hbm>>) target_semaphore(%run_scoped3A : memref<!tpu.dma_semaphore, #tpu.memory_space<semaphore_mem>>)
      %dma_wait3A_301 = arith.constant 0 : i32
      %dma_wait3A_302 = tpu.memref_slice %arg4[%arg0, %mul3A_20, %dma_wait3A_301] : memref<2x10240x128xf32, #tpu.memory_space<hbm>> -> memref<1x640x128xf32, #tpu.memory_space<hbm>>
      %dma_wait3A_303 = tpu.memref_squeeze %dma_wait3A_302 : memref<1x640x128xf32, #tpu.memory_space<hbm>> -> memref<640x128xf32, #tpu.memory_space<hbm>>
      %dma_wait3A_304 = arith.constant 0 : i32
      %dma_wait3A_305 = tpu.memref_slice %arg25[%mul3A_20, %dma_wait3A_304] : memref<10240x128xf32, #tpu.memory_space<vmem_shared>> -> memref<640x128xf32, #tpu.memory_space<vmem_shared>>
      tpu.wait_dma2 semaphore(%run_scoped3A : memref<!tpu.dma_semaphore, #tpu.memory_space<semaphore_mem>>) src(%dma_wait3A_305 : memref<640x128xf32, #tpu.memory_space<vmem_shared>>) dst(%dma_wait3A_303 : memref<640x128xf32, #tpu.memory_space<hbm>>)
      tpu.yield
    }) : () -> ()
    return
  }
}

module attributes {stable_mosaic.version = 14 : i64} {
  func.func @_mlp_block(%arg0: i32, %arg1: memref<2000x128xf32, #tpu.memory_space<vmem>>, %arg2: memref<1x2000x128xf32, #tpu.memory_space<vmem>>, %arg3: memref<1x2000x128xf32, #tpu.memory_space<vmem>>, %arg4: memref<128x128xf32, #tpu.memory_space<vmem>>, %arg5: memref<1x128xf32, #tpu.memory_space<vmem>>, %arg6: memref<128x128xf32, #tpu.memory_space<vmem>>, %arg7: memref<1x128xf32, #tpu.memory_space<vmem>>, %arg8: memref<2000x128xf32, #tpu.memory_space<vmem>>) attributes {dimension_semantics = [#tpu.dimension_semantics<arbitrary>], iteration_bounds = array<i64: 5>, scalar_prefetch = 0 : i64, scratch_operands = 0 : i64, tpu.core_type = #tpu.core_type<tc>, window_params = [{transform_indices = @transform_0, window_bounds = array<i64: 2000, 128>}, {transform_indices = @transform_1, window_bounds = array<i64: 1, 2000, 128>}, {transform_indices = @transform_2, window_bounds = array<i64: 1, 2000, 128>}, {pipeline_mode = #tpu.pipeline_mode<synchronous>, transform_indices = @transform_3, window_bounds = array<i64: 128, 128>}, {pipeline_mode = #tpu.pipeline_mode<synchronous>, transform_indices = @transform_4, window_bounds = array<i64: 1, 128>}, {pipeline_mode = #tpu.pipeline_mode<synchronous>, transform_indices = @transform_5, window_bounds = array<i64: 128, 128>}, {pipeline_mode = #tpu.pipeline_mode<synchronous>, transform_indices = @transform_6, window_bounds = array<i64: 1, 128>}, {transform_indices = @transform_7, window_bounds = array<i64: 2000, 128>}]} {
    %get3A = arith.constant 0 : index
    %get3A_0 = arith.constant 0 : index
    %get3A_1 = vector.load %arg1[%get3A, %get3A_0] : memref<2000x128xf32, #tpu.memory_space<vmem>>, vector<2000x128xf32>
    %get3A_2 = arith.constant 0 : index
    %get3A_3 = arith.constant 0 : index
    %get3A_4 = arith.constant 0 : index
    %get3A_5 = vector.load %arg2[%get3A_2, %get3A_3, %get3A_4] : memref<1x2000x128xf32, #tpu.memory_space<vmem>>, vector<1x2000x128xf32>
    %get3A_6 = vector.shape_cast %get3A_5 : vector<1x2000x128xf32> to vector<2000x128xf32>
    %add3A = arith.addf %get3A_1, %get3A_6 : vector<2000x128xf32>
    %get3A_7 = arith.constant 0 : index
    %get3A_8 = arith.constant 0 : index
    %get3A_9 = arith.constant 0 : index
    %get3A_10 = vector.load %arg3[%get3A_7, %get3A_8, %get3A_9] : memref<1x2000x128xf32, #tpu.memory_space<vmem>>, vector<1x2000x128xf32>
    %get3A_11 = vector.shape_cast %get3A_10 : vector<1x2000x128xf32> to vector<2000x128xf32>
    %add3A_12 = arith.addf %add3A, %get3A_11 : vector<2000x128xf32>
    %get3A_13 = arith.constant 0 : index
    %get3A_14 = arith.constant 0 : index
    %get3A_15 = vector.load %arg4[%get3A_13, %get3A_14] : memref<128x128xf32, #tpu.memory_space<vmem>>, vector<128x128xf32>
    %dot_general3A = arith.constant dense<0.000000e+00> : vector<2000x128xf32>
    %dot_general3A_16 = tpu.matmul %add3A_12, %get3A_15, %dot_general3A {dimension_numbers = #tpu.dot_dimension_numbers<[1], [0], [0], [1], [0, 0, 1, 1], [], []>, transpose_lhs_hint = false} : vector<2000x128xf32>, vector<128x128xf32>, vector<2000x128xf32> -> vector<2000x128xf32>
    %get3A_17 = arith.constant 0 : index
    %get3A_18 = arith.constant 0 : index
    %get3A_19 = vector.load %arg5[%get3A_17, %get3A_18] : memref<1x128xf32, #tpu.memory_space<vmem>>, vector<1x128xf32>
    %add3A_20 = vector.broadcast %get3A_19 : vector<1x128xf32> to vector<2000x128xf32>
    %add3A_21 = arith.addf %dot_general3A_16, %add3A_20 : vector<2000x128xf32>
    %max3A = arith.constant 0.000000e+00 : f32
    %max3A_22 = vector.broadcast %max3A : f32 to vector<2000x128xf32>
    %max3A_23 = arith.maximumf %add3A_21, %max3A_22 : vector<2000x128xf32>
    %get3A_24 = arith.constant 0 : index
    %get3A_25 = arith.constant 0 : index
    %get3A_26 = vector.load %arg6[%get3A_24, %get3A_25] : memref<128x128xf32, #tpu.memory_space<vmem>>, vector<128x128xf32>
    %dot_general3A_27 = arith.constant dense<0.000000e+00> : vector<2000x128xf32>
    %dot_general3A_28 = tpu.matmul %max3A_23, %get3A_26, %dot_general3A_27 {dimension_numbers = #tpu.dot_dimension_numbers<[1], [0], [0], [1], [0, 0, 1, 1], [], []>, transpose_lhs_hint = false} : vector<2000x128xf32>, vector<128x128xf32>, vector<2000x128xf32> -> vector<2000x128xf32>
    %get3A_29 = arith.constant 0 : index
    %get3A_30 = arith.constant 0 : index
    %get3A_31 = vector.load %arg7[%get3A_29, %get3A_30] : memref<1x128xf32, #tpu.memory_space<vmem>>, vector<1x128xf32>
    %add3A_32 = vector.broadcast %get3A_31 : vector<1x128xf32> to vector<2000x128xf32>
    %add3A_33 = arith.addf %dot_general3A_28, %add3A_32 : vector<2000x128xf32>
    %swap3A = arith.constant 0 : index
    %swap3A_34 = arith.constant 0 : index
    %swap3A_35 = vector.load %arg8[%swap3A, %swap3A_34] : memref<2000x128xf32, #tpu.memory_space<vmem>>, vector<2000x128xf32>
    tpu.vector_store %arg8[%swap3A, %swap3A_34], %add3A_33 {strides = array<i32>} : memref<2000x128xf32, #tpu.memory_space<vmem>>, vector<2000x128xf32>,
    return
  }
  func.func @transform_0(%arg0: i32) -> (i32, i32) {
    %c0_i32 = arith.constant 0 : i32
    %c0_i32_0 = arith.constant 0 : i32
    return %arg0, %c0_i32 : i32, i32
  }
  func.func @transform_1(%arg0: i32) -> (i32, i32, i32) {
    %c0_i32 = arith.constant 0 : i32
    %c0_i32_0 = arith.constant 0 : i32
    %c0_i32_1 = arith.constant 0 : i32
    return %c0_i32, %arg0, %c0_i32_0 : i32, i32, i32
  }
  func.func @transform_2(%arg0: i32) -> (i32, i32, i32) {
    %c1_i32 = arith.constant 1 : i32
    %c0_i32 = arith.constant 0 : i32
    %c0_i32_0 = arith.constant 0 : i32
    return %c1_i32, %arg0, %c0_i32 : i32, i32, i32
  }
  func.func @transform_3(%arg0: i32) -> (i32, i32) {
    %c0_i32 = arith.constant 0 : i32
    %c0_i32_0 = arith.constant 0 : i32
    %c0_i32_1 = arith.constant 0 : i32
    return %c0_i32, %c0_i32_0 : i32, i32
  }
  func.func @transform_4(%arg0: i32) -> (i32, i32) {
    %c0_i32 = arith.constant 0 : i32
    %c0_i32_0 = arith.constant 0 : i32
    %c0_i32_1 = arith.constant 0 : i32
    return %c0_i32, %c0_i32_0 : i32, i32
  }
  func.func @transform_5(%arg0: i32) -> (i32, i32) {
    %c0_i32 = arith.constant 0 : i32
    %c0_i32_0 = arith.constant 0 : i32
    %c0_i32_1 = arith.constant 0 : i32
    return %c0_i32, %c0_i32_0 : i32, i32
  }
  func.func @transform_6(%arg0: i32) -> (i32, i32) {
    %c0_i32 = arith.constant 0 : i32
    %c0_i32_0 = arith.constant 0 : i32
    %c0_i32_1 = arith.constant 0 : i32
    return %c0_i32, %c0_i32_0 : i32, i32
  }
  func.func @transform_7(%arg0: i32) -> (i32, i32) {
    %c0_i32 = arith.constant 0 : i32
    %c0_i32_0 = arith.constant 0 : i32
    return %arg0, %c0_i32 : i32, i32
  }
}

</mosaic_0001>

<sc_bundles>
// kernel: kernel.4.cloned.1.call-start
scs
__scs_entry_jumppad:
0x0: {  	(pc) =	sbr.rel $0x88, $3  }
0x1: {  	(tag) =	ssettag $0x0;
	lr =	simm.s32 $0x1  }
0x2: {  	[smem:$0x3F9B] =	sst lr;
	_ =	strace $0xD0000000  }
0x3: {  	_ = 	snop  }
0x4: {  	_ = 	snop  }
0x5: {  	_ = 	snop  }
0x6: {  	_ = 	snop  }
0x7: {  	_ = 	snop  }
__scs_overlays_trampoline_lowered:
0x8: {  	[smem:$0x3FAA] =	sst s0  }
0x9: {  	[smem:$0x3FAB] =	sst s1  }
0xa: {  	[smem:$0x3FAC] =	sst s2  }
0xb: {  	[smem:$0x3FAD] =	sst s3  }
0xc: {  	[smem:$0x3FAE] =	sst s4  }
0xd: {  	[smem:$0x3FAF] =	sst s5  }
0xe: {  	[smem:$0x3FB0] =	sst s6  }
0xf: {  	[smem:$0x3FB1] =	sst s7  }
0x10: {  	[smem:$0x3FB2] =	sst s8  }
0x11: {  	[smem:$0x3FB3] =	sst s9;
	s0 =	simm.s32 @!p0 $0x0  }
0x12: {  	s1 =	sld [smem:$0x3F99];
	s0 =	simm.s32 @p0 $0x1  }
0x13: {  	[smem:$0x3FB4] =	sst s0;
	s0 =	simm.s32 @!p1 $0x0  }
0x14: {  	s2 =	sld [smem:$0x3F98];
	s0 =	simm.s32 @p1 $0x1  }
0x15: {  	[smem:$0x3FB5] =	sst s0;
	s0 =	simm.s32 @!p2 $0x0  }
0x16: {  	s3 =	sld [smem:$0x3FDB];
	s0 =	simm.s32 @p2 $0x1  }
0x17: {  	s4 =	simm.s32 $0x1BF5;
	[smem:$0x3FB7] =	sst s0  }
0x18: {  	s0 =	sld [smem:$0x3F9A];
	_ =	swait.ge [sflag:s4], $0x0  }
0x19: {  	s7 =	sld [smem:$0x3F9B]  }
0x1a: {  	s8 =	sadd.s32 $0xFFFFE003, lr  }
0x1b: {  	s9 =	sadd.s32 $0xFFFFFEF7, lr;
	s5 =	simm.s32 $0xFFFFFFFF;
	p2 =	slt.u32 s8, $0xFFFFF086  }
0x1c: {  	p1 =	slt.u32 s9, $0xF7A;
	s5 =	simm.s32 @!p2 $0x0  }
0x1d: {  	s5 =	simm.s32 @p1 $0x1;
	p0 =	seq.s32 s7, s2  }
0x1e: {  	s7 =	smul.u32 @!p0 $0xF7A, s2;
	p2 =	seq.s32 @!p0 s5, $0x0  }
0x1f: {  	s9 =	smul.u32 $0xF7A, s1;
	s8 =	simm.s32 @!p0 $0x1BF5;
	p2 =	por !p2, p0  }
0x20: {  	[sflag:s8] =	ssyncset.s32 @!p0 $0xFFFFF086;
	s6 =	sadd.s32 @!p0 s3, s7;
	s7 =	simm.s32 @!p0 $0x108  }
0x21: {  	s3 =	sadd.s32 s3, s9;
	s6 =	sadd.s32 @!p0 $0x88, s6;
	s7 =	simm.s32 @p2 $0x1082  }
0x22: {  	[simem:s7], [sflag:s8] =	dma.local @!p0 [hbm:s6], $0xF7A  }
0x23: {  	s9 =	sor.u32 $0xD0000000, s2;
	s6 =	simm.s32 $0x108;
	_ =	swait.ge @!p0 [sflag:s8], $0x0  }
0x24: {  	s3 =	sadd.s32 $0x88, s3;
	s6 =	simm.s32 @!p1 $0x1082;
	[sflag:s4] =	ssyncset.s32 $0xFFFFF086  }
0x25: {  	[simem:s6], [sflag:s4] =	dma.local [hbm:s3], $0xF7A  }
0x26: {  	[smem:$0x3F9B] =	sst s1;
	(tag) =	ssettag s2;
	_ =	strace s9  }
0x27: {  	s1 =	sld [smem:$0x3FAB]  }
0x28: {  	s2 =	sld [smem:$0x3FAC]  }
0x29: {  	s4 =	sld [smem:$0x3FAE]  }
0x2a: {  	p0 =	seq.s32 s5, $0x0;
	s5 =	sld [smem:$0x3FAF]  }
0x2b: {  	s6 =	sld [smem:$0x3FB0]  }
0x2c: {  	s7 =	sld [smem:$0x3FB1]  }
0x2d: {  	s3 =	simm.s32 $0x108;
	s8 =	sld [smem:$0x3FB2]  }
0x2e: {  	s3 =	simm.s32 @!p0 $0x1082;
	s9 =	sld [smem:$0x3FB3]  }
0x2f: {  	lr =	sadd.s32 s0, s3;
	s0 =	sld [smem:$0x3FAA]  }
0x30: {  	s3 =	sld [smem:$0x3FAD]  }
0x31: {  	[smem:$0x3FB6] =	sst s10  }
0x32: {  	s10 =	sld [smem:$0x3FB4];
	_ =	sdelay $0x3  }
0x33: {  	p0 =	seq.s32 s10, $0x1;
	s10 =	sld [smem:$0x3FB6];
	_ =	sdelay $0x3  }
0x34: {  	[smem:$0x3FB6] =	sst s10  }
0x35: {  	s10 =	sld [smem:$0x3FB5];
	_ =	sdelay $0x3  }
0x36: {  	p1 =	seq.s32 s10, $0x1;
	s10 =	sld [smem:$0x3FB6];
	_ =	sdelay $0x3  }
0x37: {  	[smem:$0x3FB6] =	sst s10  }
0x38: {  	s10 =	sld [smem:$0x3FB7]  }
0x39: {  	_ = 	snop;
	(pc) =	sbr.ind lr, $3  }
0x3a: {  	_ = 	snop  }
0x3b: {  	_ = 	snop  }
0x3c: {  	p2 =	seq.s32 s10, $0x1;
	s10 =	sld [smem:$0x3FB6]  }
0x3d: {  	_ =	shalt  }
0x3e: {  	_ =	shalt  }
0x3f: {  	_ =	shalt  }
0x40: {  	_ =	shalt  }
0x41: {  	_ =	shalt  }
0x42: {  	_ =	shalt  }
0x43: {  	_ =	shalt  }
0x44: {  	_ =	shalt  }
0x45: {  	_ =	shalt  }
0x46: {  	_ =	shalt  }
0x47: {  	_ =	shalt  }
0x48: {  	_ =	shalt  }
0x49: {  	_ =	shalt  }
0x4a: {  	_ =	shalt  }
0x4b: {  	_ =	shalt  }
0x4c: {  	_ =	shalt  }
0x4d: {  	_ =	shalt  }
0x4e: {  	_ =	shalt  }
0x4f: {  	_ =	shalt  }
0x50: {  	_ =	shalt  }
0x51: {  	_ =	shalt  }
0x52: {  	_ =	shalt  }
0x53: {  	_ =	shalt  }
0x54: {  	_ =	shalt  }
0x55: {  	_ =	shalt  }
0x56: {  	_ =	shalt  }
0x57: {  	_ =	shalt  }
0x58: {  	_ =	shalt  }
0x59: {  	_ =	shalt  }
0x5a: {  	_ =	shalt  }
0x5b: {  	_ =	shalt  }
0x5c: {  	_ =	shalt  }
0x5d: {  	_ =	shalt  }
0x5e: {  	_ =	shalt  }
0x5f: {  	_ =	shalt  }
0x60: {  	_ =	shalt  }
0x61: {  	_ =	shalt  }
0x62: {  	_ =	shalt  }
0x63: {  	_ =	shalt  }
0x64: {  	_ =	shalt  }
0x65: {  	_ =	shalt  }
0x66: {  	_ =	shalt  }
0x67: {  	_ =	shalt  }
0x68: {  	_ =	shalt  }
0x69: {  	_ =	shalt  }
0x6a: {  	_ =	shalt  }
0x6b: {  	_ =	shalt  }
0x6c: {  	_ =	shalt  }
0x6d: {  	_ =	shalt  }
0x6e: {  	_ =	shalt  }
0x6f: {  	_ =	shalt  }
0x70: {  	_ =	shalt  }
0x71: {  	_ =	shalt  }
0x72: {  	_ =	shalt  }
0x73: {  	_ =	shalt  }
0x74: {  	_ =	shalt  }
0x75: {  	_ =	shalt  }
0x76: {  	_ =	shalt  }
0x77: {  	_ =	shalt  }
0x78: {  	_ =	shalt  }
0x79: {  	_ =	shalt  }
0x7a: {  	_ =	shalt  }
0x7b: {  	_ =	shalt  }
0x7c: {  	_ =	shalt  }
0x7d: {  	_ =	shalt  }
0x7e: {  	_ =	shalt  }
0x7f: {  	_ =	shalt  }
0x80: {  	_ =	shalt  }
0x81: {  	_ =	shalt  }
0x82: {  	_ =	shalt  }
0x83: {  	_ =	shalt  }
0x84: {  	_ =	shalt  }
0x85: {  	_ =	shalt  }
0x86: {  	_ =	shalt  }
0x87: {  	_ =	shalt  }
.Lfunc_end0:
.L_simem_size_0:
called_computation_lowered:
.L_overlay_start_0:
0x88: {  	s2 =	sld [smem:$0x3FD9]  }
0x89: {  	s3 =	sld [smem:$0x3FFE];
	_ =	sdelay $0x1  }
0x8a: {  	s1 =	srdreg.scid  }
0x8b: {  	s0 =	sand.u32 $0x1, s1  }
0x8c: {  	s17 =	sshll.u32 s0, $0xA;
	s2 =	sadd.s32 s3, s2  }
0x8d: {  	s2 =	sadd.s32 s2, s17  }
0x8e: {  	[smem:$0x3FC2] =	sst s2  }
0x8f: {  	_ = 	snop  }
0x90: {  	s2 =	sld [smem:$0x3FC9]  }
0x91: {  	s18 =	sld [smem:$0x3FD0];
	(tm) =	ssettm $0x1  }
0x92: {  	s4 =	sld [smem:$0x3FFB];
	_ =	sdelay $0x3  }
0x93: {  	_ =	strace s4  }
0x94: {  	s4 =	sld [smem:$0x3FFC];
	_ =	sdelay $0x3  }
0x95: {  	_ =	strace s4  }
0x96: {  	s4 =	sld [smem:$0x3FFD];
	_ =	sdelay $0x3  }
0x97: {  	_ =	strace s4  }
0x98: {  	_ =	strace $0x8FFFFFFF  }
0x99: {  	s19 =	sld [smem:$0x3FDB];
	_ =	sdelay $0x1  }
0x9a: {  	s5 =	simm.s32 $_scs_section_size  }
0x9b: {  	s6 =	simm.s32 $_size__tile_overlayer_lowered;
	s7 =	simm.s32 $_tile_overlayer_lowered  }
0x9c: {  	s22 =	simm.s32 $0x1BFF;
	s21 =	sshll.u32 s7, $0x1;
	s4 =	sadd.s32 s5, s19  }
0x9d: {  	s8 =	simm.s32 $0x0;
	s20 =	sshll.u32 s6, $0x1;
	s6 =	sadd.s32 s21, s4  }
0x9e: {  	[timem:s8], [sflag:s22] =	dma.local [hbm:s6], s20  }
0x9f: {  	_ =	swait.ge [sflag:s22], s20  }
0xa0: {  	s5 =	ssub.s32 $0x0, s20;
	[sflag:s22] =	ssyncset.done $0x0  }
0xa1: {  	[sflag:s22] =	ssyncadd.s32 s5;
	_ =	sdelay $0x1  }
0xa2: {  	s23 =	simm.s32 $0x1B8B  }
0xa3: {  	_ =	swait.ge [sflag:s23], $0x1  }
0xa4: {  	[sflag:s23] =	ssyncset.done $0x0  }
0xa5: {  	s25 =	simm.s32 $0x1B8E;
	s24 =	sld [smem:$0x3FFE];
	[sflag:s23] =	ssyncadd.s32 $0xFFFFFFFF  }
0xa6: {  	s26 =	simm.s32 $execute0_lowered;
	[smem:$0x3FD2] =	sst s25  }
0xa7: {  	s6 =	sshll.u32 s26, $0x1;
	_ =	strace $0x80000046;
	[dreg:$0x1] =	wrdreg $0xFFFFFFFF  }
0xa8: {  	s28 =	simm.s32 $_size_execute0_lowered;
	s4 =	sadd.s32 s4, s6;
	[dreg:$0x0] =	wrdreg $0x0  }
0xa9: {  	s6 =	sshll.u32 s28, $0x1;
	[dreg:$0x2] =	wrdreg s4  }
0xaa: {  	[dreg:$0x3] =	wrdreg s6  }
0xab: {  	[dreg:$0x4] =	wrdreg $0xC0  }
0xac: {  	_ =	task [dreg:s8], $0x5FFFF  }
0xad: {  	[dreg:$0x1] =	wrdreg $0xFFFFFFFF  }
0xae: {  	[dreg:$0x0] =	wrdreg $0x60  }
0xaf: {  	[dreg:$0x2] =	wrdreg s2  }
0xb0: {  	[dreg:$0x3] =	wrdreg s18  }
0xb1: {  	[dreg:$0x4] =	wrdreg s24  }
0xb2: {  	[dreg:$0x5] =	wrdreg $0xB4800  }
0xb3: {  	[dreg:$0x6] =	wrdreg $0x9  }
0xb4: {  	_ =	task.clear_ibuf [dreg:s8], $0x7FFFF;
	_ =	strace $0x90000046  }
0xb5: {  	s29 =	simm.s32 $0x9;
	_ =	strace $0x80000048  }
0xb6: {  	_ =	swait.ge [sflag:s29], $0x1  }
0xb7: {  	[sflag:s29] =	ssyncadd.s32 $0xFFFFFFFF  }
0xb8: {  	_ =	strace $0x90000048  }
0xb9: {  	_ =	sfence  }
0xba: {  	s30 =	sld [smem:$0x0];
	_ =	sdelay $0x2  }
0xbb: {  	s31 =	sshll.u32 s1, $0xD;
	s1 =	sshrl.u32 s1, $0x2  }
0xbc: {  	s3 =	sand.u32 $0x4000, s31;
	s1 =	sadd.s32 s1, s30  }
0xbd: {  	s0 =	sor.u32 s3, s0;
	s1 =	sshll.u32 s1, $0x11  }
0xbe: {  	s0 =	sor.u32 s1, s0  }
0xbf: {  	s0 =	sadd.s32 $0x8F2B, s0  }
0xc0: {  	[sflag:s0] =	ssyncadd.remote.s32 $0x1  }
0xc1: {  	_ =	sfence.sel $0xFFFF  }
0xc2: {  	[dreg:$0x0] =	wrdreg $0xFFFFFFFF;
	(pc) =	sbr.abs _section_cstart, $3  }
0xc3: {  	[dreg:$0x1] =	wrdreg $0xFFFFFFFF  }
0xc4: {  	_ =	task.clear_ibuf [dreg:s8], $0x2FFFF;
	_ =	strace $0x9FFFFFFF  }
0xc5: {  	(tm) =	ssettm $0x7FFFFFFF  }
tec
execute0_lowered:
.L_overlay_start_1:
0x0: {  	(tag) =	ssettag $0x1  }
0x1: {  	s0 =	rddreg [dreg:$0x0]  }
0x2: {  	s10 =	rddreg [dreg:$0x1];
	s1 =	srdreg.scid  }
0x3: {  	s2 =	rddreg [dreg:$0x2];
	s9 =	stileid.u32  }
0x4: {  	s4 =	rddreg [dreg:$0x3];
	s5 =	simm.s32 $0x0;
	s28 =	simm.s32 $0x9B80  }
0x5: {  	s29 =	simm.s32 $0x2880;
	s30 =	simm.s32 $0x8B80;
	s6 =	smul.u32 $0x14000, s9  }
0x6: {  	s31 =	simm.s32 $0x2980;
	s1 =	sand.u32 $0x1, s1;
	s8 =	smul.u32 $0x50000, s9  }
0x7: {  	s7 =	sshll.u32 s9, $0x1;
	[smem:$0x7FF] =	sst s5;
	s13 =	smul.u32 $0x4E20, s9  }
0x8: {  	s3 =	smul.u32 $0x140000, s1;
	s7 =	sor.u32 s1, s7;
	s11 =	sshrl.u32 s8, $0x2  }
0x9: {  	_ =	strace $0x80000047;
	s24 =	smul.u32 $0x2710, s7;
	s7 =	sadd.s32 s11, s4  }
0xa: {  	s25 =	ssub.s32 $0x2, s1;
	s14 =	sadd.s32 $0x1000, s7;
	[dreg:$0x8] =	wrdreg s7  }
0xb: {  	s1 =	smul.u32 $0x2710, s1;
	s15 =	sadd.s32 $0x2000, s7;
	[dreg:$0x9] =	wrdreg s14  }
0xc: {  	s26 =	sshrl.u32 s25, $0x1;
	s16 =	sadd.s32 $0x3000, s7;
	[dreg:$0xa] =	wrdreg s15  }
0xd: {  	s3 =	sadd.s32 s6, s3;
	s17 =	sadd.s32 $0x4000, s7;
	[dreg:$0xb] =	wrdreg s16  }
0xe: {  	s1 =	sadd.s32 s1, s13;
	s18 =	sadd.s32 $0x5000, s7;
	[dreg:$0xc] =	wrdreg s17  }
0xf: {  	s3 =	sshrl.u32 s3, $0x3;
	s19 =	sadd.s32 $0x6000, s7;
	[dreg:$0xd] =	wrdreg s18  }
0x10: {  	s6 =	sshrl.u32 s24, $0x3;
	s9 =	sadd.s32 $0x7000, s7;
	[dreg:$0xe] =	wrdreg s19  }
0x11: {  	s21 =	sadd.s32 $0x4E360, s1;
	s11 =	sadd.s32 $0x8000, s7;
	[dreg:$0x19] =	wrdreg s9  }
0x12: {  	s22 =	sadd.s32 $0x4E340, s1;
	s13 =	sadd.s32 $0xA000, s7;
	[dreg:$0x1a] =	wrdreg s11  }
0x13: {  	s24 =	sadd.s32 $0x4E320, s1;
	s23 =	sshrl.u32 s22, $0x3;
	[dreg:$0x1c] =	wrdreg s13  }
0x14: {  	s8 =	sadd.s32 $0x4E2E0, s1;
	s14 =	sadd.s32 $0xB000, s7;
	[dreg:$0x12] =	wrdreg s23  }
0x15: {  	s2 =	sadd.s32 s3, s2;
	s15 =	sadd.s32 $0xC000, s7;
	[dreg:$0x1d] =	wrdreg s14  }
0x16: {  	s10 =	sadd.s32 s10, s6;
	s16 =	sadd.s32 $0xD000, s7;
	[dreg:$0x1e] =	wrdreg s15  }
0x17: {  	s3 =	ssub.s32 s25, s26;
	s17 =	sadd.s32 $0xE000, s7;
	[dreg:$0x1f] =	wrdreg s16  }
0x18: {  	s25 =	sadd.s32 $0x4E300, s1;
	s18 =	sadd.s32 $0xF000, s7;
	[smem:$0x7F4] =	sst s17  }
0x19: {  	s26 =	sadd.s32 $0x4E2A0, s1;
	s19 =	sadd.s32 $0x10000, s7;
	[smem:$0x7F5] =	sst s18  }
0x1a: {  	s22 =	sadd.s32 $0x13000, s7;
	s13 =	simm.s32 $0x1;
	[smem:$0x7F6] =	sst s19  }
0x1b: {  	s9 =	simm.s32 $0x6B80;
	s6 =	sadd.s32 $0x4E0, s10;
	[smem:$0x7F9] =	sst s22  }
0x1c: {  	s12 =	sadd.s32 $0xA120, s10;
	s2 =	sadd.s32 $0x1600, s2;
	[dreg:$0x5] =	wrdreg s10  }
0x1d: {  	s20 =	smax.u32 s3, $0x1;
	s3 =	sshrl.u32 s26, $0x3;
	[dreg:$0x6] =	wrdreg s6  }
0x1e: {  	s23 =	sadd.s32 $0x9C40, s10;
	s26 =	sadd.s32 $0x9C4C, s10;
	[dreg:$0x7] =	wrdreg s12  }
0x1f: {  	s15 =	simm.s32 $0xAB80;
	s16 =	simm.s32 $0xAC00;
	[dreg:$0xf] =	wrdreg s2  }
0x20: {  	s17 =	simm.s32 $0x14;
	s18 =	simm.s32 $0xF;
	[dreg:$0x10] =	wrdreg s20  }
0x21: {  	s19 =	simm.s32 $0x7;
	s22 =	simm.s32 $0x9;
	[dreg:$0x15] =	wrdreg s3  }
0x22: {  	s14 =	simm.s32 $0x2880;
	s2 =	sshrl.u32 s21, $0x3;
	[smem:$0x7FA] =	sst s23  }
0x23: {  	s6 =	sadd.s32 $0x4E280, s1;
	s1 =	sadd.s32 $0x4E2C0, s1;
	[smem:$0x7FD] =	sst s26  }
0x24: {  	s12 =	sadd.s32 $0x9000, s7;
	s20 =	sadd.s32 $0x11000, s7;
	[dreg:$0x11] =	wrdreg s2  }
0x25: {  	s21 =	sadd.s32 $0x12000, s7;
	s23 =	simm.s32 $0x17;
	[dreg:$0x1b] =	wrdreg s12  }
0x26: {  	s3 =	simm.s32 $0x0;
	s26 =	simm.s32 $0x2A80;
	[smem:$0x7F7] =	sst s20  }
0x27: {  	s2 =	sshrl.u32 s24, $0x3;
	s1 =	sshrl.u32 s1, $0x3;
	[smem:$0x7F8] =	sst s21  }
0x28: {  	s24 =	sadd.s32 $0x9C44, s10;
	s20 =	simm.s32 $0x15;
	[dreg:$0x13] =	wrdreg s2  }
0x29: {  	s21 =	simm.s32 $0x11;
	s12 =	simm.s32 $0x18;
	[dreg:$0x18] =	wrdreg s1  }
.Ltmp0:
0x2a: {  	s2 =	sshrl.u32 s25, $0x3;
	[smem:$0x7FB] =	sst s24;
	(pc) =	sbr.rel .LBB2_1-.Ltmp0, $4  }
0x2b: {  	s25 =	sadd.s32 $0x9C48, s10;
	s1 =	simm.s32 $0x20;
	[dreg:$0x14] =	wrdreg s2  }
0x2c: {  	s10 =	simm.s32 $0x6;
	s2 =	sshrl.u32 s6, $0x3;
	[smem:$0x7FC] =	sst s25  }
0x2d: {  	s24 =	simm.s32 $0x12;
	[dreg:$0x16] =	wrdreg s2;
	s2 =	sshrl.u32 s8, $0x3  }
0x2e: {  	v0 =	vimm.f32 $0.0e+00;
	s25 =	simm.s32 $0xA;
	s8 =	simm.s32 $0x2B00;
	[dreg:$0x17] =	wrdreg s2  }
.LBB2_6:
0x2f: {  	_ =	swait.ge [sflag:s24], $0x1000  }
0x30: {  	[sflag:s24] =	ssyncset.done $0x0  }
0x31: {  	[sflag:s24] =	ssyncadd.s32 $0xFFFFF000  }
0x32: {  	_ =	swait.ge [sflag:s25], $0x20  }
0x33: {  	[sflag:s25] =	ssyncset.done $0x0  }
0x34: {  	[sflag:s25] =	ssyncadd.s32 $0xFFFFFFE0  }
0x35: {  	[spmem:s4] =	stream.indirect.scatter.add.f32 [tilespmem:s13], [sflag:$0x1A], $0x80, s8, s1, $0xb8;
	[tilespmem:$0x1F480] =	vst v63  }
0x36: {  	_ =	swait.ge [sflag:s12], $0x1000  }
0x37: {  	[sflag:s12] =	ssyncset.done $0x0  }
0x38: {  	s13 =	simm.s32 $0x1;
	[sflag:s12] =	ssyncadd.s32 $0xFFFFF000  }
0x39: {  	_ =	swait.ge [sflag:s13], $0x10  }
0x3a: {  	[sflag:s13] =	ssyncset.done $0x0  }
0x3b: {  	[sflag:s13] =	ssyncadd.s32 $0xFFFFFFF0  }
0x3c: {  	_ =	swait.ge [sflag:s13], $0x10  }
0x3d: {  	s15 =	simm.s32 $0xAB80;
	s2 =	simm.s32 $0x10;
	[sflag:s13] =	ssyncset.done $0x0  }
0x3e: {  	s3 =	simm.s32 $0xAC80;
	s6 =	simm.s32 $0x1B;
	[sflag:s13] =	ssyncadd.s32 $0xFFFFFFF0  }
0x3f: {  	[tilespmem:s3], [sflag:$0x1B] =	stream.indirect.gather [hbm4b:s0+s2], $0x80, s15, s2, $0xb8;
	[tilespmem:$0x1F480] =	vst v63  }
0x40: {  	_ =	swait.ge [sflag:s6], $0x800  }
0x41: {  	[sflag:s6] =	ssyncset.done $0x0  }
0x42: {  	s16 =	simm.s32 $0xAC00;
	[sflag:s6] =	ssyncadd.s32 $0xFFFFF800  }
0x43: {  	[spmem:s4] =	stream.indirect.scatter.add.f32 [tilespmem:s3], [sflag:$0x1B], $0x80, s16, s2, $0xb8;
	[tilespmem:$0x1F480] =	vst v63  }
0x44: {  	_ =	swait.ge [sflag:s6], $0x800  }
0x45: {  	[sflag:s6] =	ssyncset.done $0x0  }
0x46: {  	s11 =	simm.s32 $0x19;
	[sflag:s6] =	ssyncadd.s32 $0xFFFFF800  }
0x47: {  	_ =	swait.ge [sflag:s11], $0x1000  }
0x48: {  	[sflag:s11] =	ssyncset.done $0x0  }
0x49: {  	s3 =	simm.s32 $0x1A;
	[sflag:s11] =	ssyncadd.s32 $0xFFFFF000  }
0x4a: {  	_ =	swait.ge [sflag:s3], $0x1000  }
0x4b: {  	[sflag:s3] =	ssyncset.done $0x0  }
0x4c: {  	[sflag:s3] =	ssyncadd.s32 $0xFFFFF000  }
0x4d: {  	s7 =	stileid.u32;
	[bflag:$0x0] =	sbarrier.arrive $0xFFFF  }
0x4e: {  	s2 =	sshll.u32 s7, $0x6;
	s7 =	rddreg [dreg:$0x8]  }
0x4f: {  	s2 =	sor.u32 $0x1C1B, s2;
	s11 =	rddreg [dreg:$0xf];
	s9 =	sshrl.u32 s7, $0x3  }
0x50: {  	[hbm:s11], [sflag:s2] =	dma.local [spmem:s9], $0x2800  }
0x51: {  	_ =	swait.ge [sflag:s6], $0x2800  }
0x52: {  	s9 =	sld [smem:$0x7F3];
	_ =	sdelay $0x2  }
0x53: {  	s11 =	rddreg [dreg:$0x10];
	s3 =	sadd.s32 $0x1, s9  }
0x54: {  	p0 =	sne.s32 s3, s11  }
.Ltmp1:
0x55: {  	_ = 	snop;
	(pc) =	sbr.rel @!p0 .LBB2_7-.Ltmp1, $3  }
0x56: {  	_ =	sdelay $0x1  }
0x57: {  	s28 =	simm.s32 $0x9B80;
	[sflag:s6] =	ssyncset.done $0x0  }
0x58: {  	s29 =	simm.s32 $0x2880;
	[sflag:s6] =	ssyncadd.s32 $0xFFFFD800;
	s9 =	simm.s32 $0x6B80  }
.LBB2_1:
0x59: {  	[smem:$0x7F3] =	sst s3  }
0x5a: {  	s2 =	rddreg [dreg:$0x5]  }
0x5b: {  	[tilespmem:s5], [sflag:$0x1] =	stream.linear.gather [hbm4b:s2+s5], $0x2710, $0x38;
	[tilespmem:$0x1F480] =	vst v63  }
0x5c: {  	s11 =	rddreg [dreg:$0x6]  }
0x5d: {  	[tilespmem:s15], [sflag:$0x1] =	stream.linear.gather [hbm4b:s11+s5], $0x10, $0x38;
	[tilespmem:$0x1F480] =	vst v63  }
0x5e: {  	s3 =	simm.s32 $0x200;
	s2 =	simm.s32 $0x0;
	s15 =	rddreg [dreg:$0x7]  }
0x5f: {  	[tilespmem:s16], [sflag:$0x1] =	stream.linear.gather [hbm4b:s15+s5], $0x10, $0x38;
	[tilespmem:$0x1F480] =	vst v63  }
.LBB2_2:
0x60: {  	p0 =	sne.s32 s3, $0x3E00;
	[tilespmem:s2+$0x9BF0] =	vst v0  }
0x61: {  	[tilespmem:s2+$0x9B80] =	vst v0  }
0x62: {  	[tilespmem:s2+$0x9B90] =	vst v0  }
.Ltmp2:
0x63: {  	[tilespmem:s2+$0x9BA0] =	vst v0;
	(pc) =	sbr.rel @p0 .LBB2_2-.Ltmp2, $4  }
0x64: {  	[tilespmem:s2+$0x9BB0] =	vst v0  }
0x65: {  	[tilespmem:s2+$0x9BC0] =	vst v0  }
0x66: {  	[tilespmem:s2+$0x9BD0] =	vst v0  }
0x67: {  	[tilespmem:s2+$0x9BE0] =	vst v0;
	s2 =	sshra.s32 s3, $0x2;
	s3 =	sadd.s32 $0x200, s3  }
0x68: {  	[tilespmem:s2+$0x9BF0] =	vst v0  }
0x69: {  	[tilespmem:s2+$0x9B80] =	vst v0  }
0x6a: {  	[tilespmem:s2+$0x9B90] =	vst v0  }
0x6b: {  	[tilespmem:s2+$0x9BA0] =	vst v0  }
0x6c: {  	[tilespmem:s2+$0x9BB0] =	vst v0  }
0x6d: {  	[tilespmem:s2+$0x9BC0] =	vst v0  }
0x6e: {  	[tilespmem:s2+$0x9BD0] =	vst v0  }
0x6f: {  	[tilespmem:s2+$0x9BE0] =	vst v0;
	s15 =	rddreg [dreg:$0x9]  }
0x70: {  	[spmem:s7] =	stream.linear.scatter [tilespmem:s28], [sflag:$0x2], $0x1000, $0x38;
	[tilespmem:$0x1F480] =	vst v63  }
0x71: {  	s16 =	rddreg [dreg:$0xa]  }
0x72: {  	[spmem:s15] =	stream.linear.scatter [tilespmem:s28], [sflag:$0x2], $0x1000, $0x38;
	[tilespmem:$0x1F480] =	vst v63  }
0x73: {  	s3 =	rddreg [dreg:$0xb]  }
0x74: {  	[spmem:s16] =	stream.linear.scatter [tilespmem:s28], [sflag:$0x2], $0x1000, $0x38;
	[tilespmem:$0x1F480] =	vst v63  }
0x75: {  	s6 =	rddreg [dreg:$0xc]  }
0x76: {  	[spmem:s3] =	stream.linear.scatter [tilespmem:s28], [sflag:$0x2], $0x1000, $0x38;
	[tilespmem:$0x1F480] =	vst v63  }
0x77: {  	s11 =	rddreg [dreg:$0xe]  }
0x78: {  	[spmem:s6] =	stream.linear.scatter [tilespmem:s28], [sflag:$0x2], $0x1000, $0x38;
	[tilespmem:$0x1F480] =	vst v63  }
0x79: {  	s7 =	rddreg [dreg:$0xd]  }
0x7a: {  	[spmem:s7] =	stream.linear.scatter [tilespmem:s28], [sflag:$0x2], $0x1000, $0x38;
	[tilespmem:$0x1F480] =	vst v63  }
0x7b: {  	s15 =	rddreg [dreg:$0x19]  }
0x7c: {  	[spmem:s11] =	stream.linear.scatter [tilespmem:s28], [sflag:$0x2], $0x1000, $0x38;
	[tilespmem:$0x1F480] =	vst v63  }
0x7d: {  	s16 =	rddreg [dreg:$0x1a]  }
0x7e: {  	[spmem:s15] =	stream.linear.scatter [tilespmem:s28], [sflag:$0x2], $0x1000, $0x38;
	[tilespmem:$0x1F480] =	vst v63  }
0x7f: {  	s3 =	rddreg [dreg:$0x1b]  }
0x80: {  	[spmem:s16] =	stream.linear.scatter [tilespmem:s28], [sflag:$0x2], $0x1000, $0x38;
	[tilespmem:$0x1F480] =	vst v63  }
0x81: {  	s6 =	rddreg [dreg:$0x1c]  }
0x82: {  	[spmem:s3] =	stream.linear.scatter [tilespmem:s28], [sflag:$0x2], $0x1000, $0x38;
	[tilespmem:$0x1F480] =	vst v63  }
0x83: {  	s7 =	rddreg [dreg:$0x1d]  }
0x84: {  	[spmem:s6] =	stream.linear.scatter [tilespmem:s28], [sflag:$0x2], $0x1000, $0x38;
	[tilespmem:$0x1F480] =	vst v63  }
0x85: {  	s11 =	rddreg [dreg:$0x1e]  }
0x86: {  	[spmem:s7] =	stream.linear.scatter [tilespmem:s28], [sflag:$0x2], $0x1000, $0x38;
	[tilespmem:$0x1F480] =	vst v63  }
0x87: {  	s15 =	rddreg [dreg:$0x1f]  }
0x88: {  	[spmem:s11] =	stream.linear.scatter [tilespmem:s28], [sflag:$0x2], $0x1000, $0x38;
	[tilespmem:$0x1F480] =	vst v63  }
0x89: {  	s16 =	sld [smem:$0x7F4]  }
0x8a: {  	[spmem:s15] =	stream.linear.scatter [tilespmem:s28], [sflag:$0x2], $0x1000, $0x38;
	[tilespmem:$0x1F480] =	vst v63  }
0x8b: {  	s3 =	sld [smem:$0x7F5]  }
0x8c: {  	[spmem:s16] =	stream.linear.scatter [tilespmem:s28], [sflag:$0x2], $0x1000, $0x38;
	[tilespmem:$0x1F480] =	vst v63  }
0x8d: {  	s6 =	sld [smem:$0x7F6]  }
0x8e: {  	[spmem:s3] =	stream.linear.scatter [tilespmem:s28], [sflag:$0x2], $0x1000, $0x38;
	[tilespmem:$0x1F480] =	vst v63  }
0x8f: {  	s7 =	sld [smem:$0x7F7]  }
0x90: {  	[spmem:s6] =	stream.linear.scatter [tilespmem:s28], [sflag:$0x2], $0x1000, $0x38;
	[tilespmem:$0x1F480] =	vst v63  }
0x91: {  	s11 =	sld [smem:$0x7F8]  }
0x92: {  	[spmem:s7] =	stream.linear.scatter [tilespmem:s28], [sflag:$0x2], $0x1000, $0x38;
	[tilespmem:$0x1F480] =	vst v63  }
0x93: {  	s15 =	sld [smem:$0x7F9]  }
0x94: {  	[spmem:s11] =	stream.linear.scatter [tilespmem:s28], [sflag:$0x2], $0x1000, $0x38;
	[tilespmem:$0x1F480] =	vst v63  }
0x95: {  	_ = 	snop  }
0x96: {  	[spmem:s15] =	stream.linear.scatter [tilespmem:s28], [sflag:$0x2], $0x1000, $0x38;
	[tilespmem:$0x1F480] =	vst v63  }
0x97: {  	_ =	swait.ge [sflag:s13], $0x2710  }
0x98: {  	s16 =	sld [smem:$0x7FA]  }
0x99: {  	s3 =	simm.s32 $0x0;
	[sflag:s13] =	ssyncset.done $0x0  }
0x9a: {  	s6 =	simm.s32 $0x2780;
	s11 =	sld [smem:$0x7FB];
	[sflag:s13] =	ssyncadd.s32 $0xFFFFD8F0  }
0x9b: {  	[tilespmem:s6], [sflag:$0x3] =	stream.linear.gather [hbm4b:s16+s3], $0x20, $0x38;
	[tilespmem:$0x1F480] =	vst v63  }
0x9c: {  	s15 =	sld [smem:$0x7FC];
	s13 =	simm.s32 $0x2800  }
0x9d: {  	[tilespmem:s13], [sflag:$0x4] =	stream.linear.gather [hbm4b:s11+s3], $0x20, $0x38;
	[tilespmem:$0x1F480] =	vst v63  }
0x9e: {  	s16 =	sld [smem:$0x7FD]  }
0x9f: {  	[tilespmem:s29], [sflag:$0x5] =	stream.linear.gather [hbm4b:s15+s3], $0x20, $0x38;
	[tilespmem:$0x1F480] =	vst v63  }
0xa0: {  	s13 =	simm.s32 $0x2900  }
0xa1: {  	[tilespmem:s13], [sflag:$0x6] =	stream.linear.gather [hbm4b:s16+s3], $0x20, $0x38;
	[tilespmem:$0x1F480] =	vst v63  }
0xa2: {  	s6 =	simm.s32 $0x2B80  }
0xa3: {  	[tilespmem:s6], [sflag:$0xB] =	stream.indirect.gather [hbm4b:s0+s1], $0x80, s3, s1, $0xb8;
	[tilespmem:$0x1F480] =	vst v63  }
0xa4: {  	s7 =	simm.s32 $0x3B80  }
0xa5: {  	[tilespmem:s7], [sflag:$0xC] =	stream.indirect.gather [hbm4b:s0+s1], $0x80, s1, s1, $0xb8;
	[tilespmem:$0x1F480] =	vst v63  }
0xa6: {  	s11 =	simm.s32 $0x40;
	s6 =	simm.s32 $0x4B80  }
0xa7: {  	[tilespmem:s6], [sflag:$0xD] =	stream.indirect.gather [hbm4b:s0+s1], $0x80, s11, s1, $0xb8;
	[tilespmem:$0x1F480] =	vst v63  }
0xa8: {  	s15 =	simm.s32 $0x60;
	s16 =	simm.s32 $0x5B80  }
0xa9: {  	[tilespmem:s16], [sflag:$0xE] =	stream.indirect.gather [hbm4b:s0+s1], $0x80, s15, s1, $0xb8;
	[tilespmem:$0x1F480] =	vst v63  }
0xaa: {  	s7 =	simm.s32 $0x80  }
0xab: {  	[tilespmem:s9], [sflag:$0xF] =	stream.indirect.gather [hbm4b:s0+s1], $0x80, s7, s1, $0xb8;
	[tilespmem:$0x1F480] =	vst v63  }
0xac: {  	s11 =	simm.s32 $0xA0;
	s15 =	simm.s32 $0x7B80;
	s16 =	simm.s32 $0x2  }
0xad: {  	[tilespmem:s15], [sflag:$0x10] =	stream.indirect.gather [hbm4b:s0+s1], $0x80, s11, s1, $0xb8;
	[tilespmem:$0x1F480] =	vst v63  }
0xae: {  	_ =	swait.ge [sflag:s16], $0x1000  }
0xaf: {  	[sflag:s16] =	ssyncset.done $0x0  }
0xb0: {  	[sflag:s16] =	ssyncadd.s32 $0xFFFFF000  }
0xb1: {  	_ =	swait.ge [sflag:s16], $0x1000  }
0xb2: {  	[sflag:s16] =	ssyncset.done $0x0  }
0xb3: {  	[sflag:s16] =	ssyncadd.s32 $0xFFFFF000  }
0xb4: {  	_ =	swait.ge [sflag:s16], $0x1000  }
0xb5: {  	[sflag:s16] =	ssyncset.done $0x0  }
0xb6: {  	[sflag:s16] =	ssyncadd.s32 $0xFFFFF000  }
0xb7: {  	_ =	swait.ge [sflag:s16], $0x1000  }
0xb8: {  	[sflag:s16] =	ssyncset.done $0x0  }
0xb9: {  	[sflag:s16] =	ssyncadd.s32 $0xFFFFF000  }
0xba: {  	_ =	swait.ge [sflag:s16], $0x1000  }
0xbb: {  	[sflag:s16] =	ssyncset.done $0x0  }
0xbc: {  	[sflag:s16] =	ssyncadd.s32 $0xFFFFF000  }
0xbd: {  	_ =	swait.ge [sflag:s16], $0x1000  }
0xbe: {  	[sflag:s16] =	ssyncset.done $0x0  }
0xbf: {  	[sflag:s16] =	ssyncadd.s32 $0xFFFFF000  }
0xc0: {  	_ =	swait.ge [sflag:s16], $0x1000  }
0xc1: {  	[sflag:s16] =	ssyncset.done $0x0  }
0xc2: {  	[sflag:s16] =	ssyncadd.s32 $0xFFFFF000  }
0xc3: {  	_ =	swait.ge [sflag:s16], $0x1000  }
0xc4: {  	[sflag:s16] =	ssyncset.done $0x0  }
0xc5: {  	[sflag:s16] =	ssyncadd.s32 $0xFFFFF000  }
0xc6: {  	_ =	swait.ge [sflag:s16], $0x1000  }
0xc7: {  	[sflag:s16] =	ssyncset.done $0x0  }
0xc8: {  	[sflag:s16] =	ssyncadd.s32 $0xFFFFF000  }
0xc9: {  	_ =	swait.ge [sflag:s16], $0x1000  }
0xca: {  	[sflag:s16] =	ssyncset.done $0x0  }
0xcb: {  	[sflag:s16] =	ssyncadd.s32 $0xFFFFF000  }
0xcc: {  	_ =	swait.ge [sflag:s16], $0x1000  }
0xcd: {  	[sflag:s16] =	ssyncset.done $0x0  }
0xce: {  	[sflag:s16] =	ssyncadd.s32 $0xFFFFF000  }
0xcf: {  	_ =	swait.ge [sflag:s16], $0x1000  }
0xd0: {  	[sflag:s16] =	ssyncset.done $0x0  }
0xd1: {  	[sflag:s16] =	ssyncadd.s32 $0xFFFFF000  }
0xd2: {  	_ =	swait.ge [sflag:s16], $0x1000  }
0xd3: {  	[sflag:s16] =	ssyncset.done $0x0  }
0xd4: {  	[sflag:s16] =	ssyncadd.s32 $0xFFFFF000  }
0xd5: {  	_ =	swait.ge [sflag:s16], $0x1000  }
0xd6: {  	[sflag:s16] =	ssyncset.done $0x0  }
0xd7: {  	[sflag:s16] =	ssyncadd.s32 $0xFFFFF000  }
0xd8: {  	_ =	swait.ge [sflag:s16], $0x1000  }
0xd9: {  	[sflag:s16] =	ssyncset.done $0x0  }
0xda: {  	[sflag:s16] =	ssyncadd.s32 $0xFFFFF000  }
0xdb: {  	_ =	swait.ge [sflag:s16], $0x1000  }
0xdc: {  	[sflag:s16] =	ssyncset.done $0x0  }
0xdd: {  	[sflag:s16] =	ssyncadd.s32 $0xFFFFF000  }
0xde: {  	_ =	swait.ge [sflag:s16], $0x1000  }
0xdf: {  	[sflag:s16] =	ssyncset.done $0x0  }
0xe0: {  	[sflag:s16] =	ssyncadd.s32 $0xFFFFF000  }
0xe1: {  	_ =	swait.ge [sflag:s16], $0x1000  }
0xe2: {  	[sflag:s16] =	ssyncset.done $0x0  }
0xe3: {  	[sflag:s16] =	ssyncadd.s32 $0xFFFFF000  }
0xe4: {  	_ =	swait.ge [sflag:s16], $0x1000  }
0xe5: {  	[sflag:s16] =	ssyncset.done $0x0  }
0xe6: {  	[sflag:s16] =	ssyncadd.s32 $0xFFFFF000  }
0xe7: {  	_ =	swait.ge [sflag:s16], $0x1000  }
0xe8: {  	[sflag:s16] =	ssyncset.done $0x0  }
0xe9: {  	[sflag:s16] =	ssyncadd.s32 $0xFFFFF000  }
0xea: {  	[bflag:$0x0] =	sbarrier.arrive $0xFFFF  }
0xeb: {  	s9 =	simm.s32 $0x6B80;
	s2 =	rddreg [dreg:$0x1]  }
.LBB2_4:
0xec: {  	s6 =	simm.s32 $0xB  }
0xed: {  	_ =	swait.ge [sflag:s6], $0x1000  }
0xee: {  	[sflag:s6] =	ssyncset.done $0x0  }
0xef: {  	s11 =	simm.s32 $0x3;
	[sflag:s6] =	ssyncadd.s32 $0xFFFFF000  }
0xf0: {  	_ =	swait.ge [sflag:s11], $0x20  }
0xf1: {  	s7 =	simm.s32 $0x2780;
	[sflag:s11] =	ssyncset.done $0x0  }
0xf2: {  	s15 =	simm.s32 $0x2B80;
	p0 =	seq.s32 s3, $0x0;
	[sflag:s11] =	ssyncadd.s32 $0xFFFFFFE0  }
0xf3: {  	[spmem:s4] =	stream.indirect.scatter.add.f32 [tilespmem:s15], [sflag:$0x13], $0x80, s7, s1, $0xb8;
	[tilespmem:$0x1F480] =	vst v63  }
0xf4: {  	s15 =	simm.s32 @!p0 $0x19  }
0xf5: {  	_ =	swait.ge @!p0 [sflag:s15], $0x1000  }
0xf6: {  	s11 =	sshra.s32 s3, $0x2;
	[sflag:s15] =	ssyncset.done @!p0 $0x0  }
0xf7: {  	s16 =	sadd.s32 $0xC0, s11;
	s6 =	rddreg [dreg:$0x16];
	[sflag:s15] =	ssyncadd.s32 @!p0 $0xFFFFF000  }
0xf8: {  	[tilespmem:s30], [sflag:$0x11] =	stream.indirect.gather [hbm4b:s0+s1], $0x80, s16, s1, $0xb8;
	[tilespmem:$0x1F480] =	vst v63  }
0xf9: {  	s7 =	sadd.s32 s2, s6;
	s15 =	simm.s32 $0xC  }
0xfa: {  	[tilespmem:s31], [sflag:$0x7] =	stream.linear.gather [hbm4b:s7+s5], $0x20, $0x38;
	[tilespmem:$0x1F480] =	vst v63  }
0xfb: {  	_ =	swait.ge [sflag:s15], $0x1000  }
0xfc: {  	[sflag:s15] =	ssyncset.done $0x0  }
0xfd: {  	s16 =	simm.s32 $0x4;
	[sflag:s15] =	ssyncadd.s32 $0xFFFFF000  }
0xfe: {  	_ =	swait.ge [sflag:s16], $0x20  }
0xff: {  	[sflag:s16] =	ssyncset.done $0x0  }
0x100: {  	s6 =	simm.s32 $0x2800;
	s15 =	simm.s32 $0x3B80;
	[sflag:s16] =	ssyncadd.s32 $0xFFFFFFE0  }
0x101: {  	[spmem:s4] =	stream.indirect.scatter.add.f32 [tilespmem:s15], [sflag:$0x14], $0x80, s6, s1, $0xb8;
	[tilespmem:$0x1F480] =	vst v63  }
0x102: {  	s15 =	simm.s32 @!p0 $0x1A  }
0x103: {  	_ =	swait.ge @!p0 [sflag:s15], $0x1000  }
0x104: {  	[sflag:s15] =	ssyncset.done @!p0 $0x0  }
0x105: {  	s16 =	sadd.s32 $0xE0, s11;
	[sflag:s15] =	ssyncadd.s32 @!p0 $0xFFFFF000  }
0x106: {  	[tilespmem:s28], [sflag:$0x12] =	stream.indirect.gather [hbm4b:s0+s1], $0x80, s16, s1, $0xb8;
	[tilespmem:$0x1F480] =	vst v63  }
0x107: {  	s28 =	rddreg [dreg:$0x15]  }
0x108: {  	s7 =	simm.s32 $0x2A00;
	s15 =	simm.s32 $0xD;
	s6 =	sadd.s32 s2, s28  }
0x109: {  	[tilespmem:s7], [sflag:$0x8] =	stream.linear.gather [hbm4b:s6+s5], $0x20, $0x38;
	[tilespmem:$0x1F480] =	vst v63  }
0x10a: {  	_ =	swait.ge [sflag:s15], $0x1000  }
0x10b: {  	[sflag:s15] =	ssyncset.done $0x0  }
0x10c: {  	s16 =	simm.s32 $0x5;
	[sflag:s15] =	ssyncadd.s32 $0xFFFFF000  }
0x10d: {  	_ =	swait.ge [sflag:s16], $0x20  }
0x10e: {  	[sflag:s16] =	ssyncset.done $0x0  }
0x10f: {  	s28 =	simm.s32 $0x4B80;
	[sflag:s16] =	ssyncadd.s32 $0xFFFFFFE0  }
0x110: {  	[spmem:s4] =	stream.indirect.scatter.add.f32 [tilespmem:s28], [sflag:$0x15], $0x80, s29, s1, $0xb8;
	[tilespmem:$0x1F480] =	vst v63  }
0x111: {  	p0 =	seq.s32 s3, $0x9800;
	s29 =	simm.s32 $0x13  }
0x112: {  	s15 =	sshra.s32 @!p0 s3, $0x2;
	_ =	swait.ge [sflag:s29], $0x1000  }
0x113: {  	s7 =	sadd.s32 @!p0 $0x100, s15;
	s16 =	simm.s32 @!p0 $0x20;
	[sflag:s29] =	ssyncset.done $0x0  }
0x114: {  	s6 =	rddreg [dreg:$0x18];
	[sflag:s29] =	ssyncadd.s32 $0xFFFFF000;
	s29 =	simm.s32 @!p0 $0x2B80  }
0x115: {  	[tilespmem:s29], [sflag:$0xB] =	stream.indirect.gather @!p0 [hbm4b:s0+s16], $0x80, s7, s16, $0xb8;
	[tilespmem:$0x1F480] =	vst v63  }
0x116: {  	s7 =	sadd.s32 s2, s6  }
0x117: {  	[tilespmem:s26], [sflag:$0x9] =	stream.linear.gather [hbm4b:s7+s5], $0x20, $0x38;
	[tilespmem:$0x1F480] =	vst v63  }
0x118: {  	s7 =	simm.s32 $0xE  }
0x119: {  	_ =	swait.ge [sflag:s7], $0x1000  }
0x11a: {  	[sflag:s7] =	ssyncset.done $0x0  }
0x11b: {  	[sflag:s7] =	ssyncadd.s32 $0xFFFFF000  }
0x11c: {  	_ =	swait.ge [sflag:s10], $0x20  }
0x11d: {  	[sflag:s10] =	ssyncset.done $0x0  }
0x11e: {  	s28 =	simm.s32 $0x5B80;
	[sflag:s10] =	ssyncadd.s32 $0xFFFFFFE0  }
0x11f: {  	[spmem:s4] =	stream.indirect.scatter.add.f32 [tilespmem:s28], [sflag:$0x16], $0x80, s13, s1, $0xb8;
	[tilespmem:$0x1F480] =	vst v63  }
0x120: {  	_ =	swait.ge [sflag:s17], $0x1000  }
0x121: {  	[sflag:s17] =	ssyncset.done $0x0  }
0x122: {  	s29 =	simm.s32 @!p0 $0x3B80;
	s7 =	sadd.s32 @!p0 $0x120, s15;
	[sflag:s17] =	ssyncadd.s32 $0xFFFFF000  }
0x123: {  	[tilespmem:s29], [sflag:$0xC] =	stream.indirect.gather @!p0 [hbm4b:s0+s16], $0x80, s7, s16, $0xb8;
	[tilespmem:$0x1F480] =	vst v63  }
0x124: {  	s29 =	rddreg [dreg:$0x17]  }
0x125: {  	s7 =	sadd.s32 s2, s29  }
0x126: {  	[tilespmem:s8], [sflag:$0xA] =	stream.linear.gather [hbm4b:s7+s5], $0x20, $0x38;
	[tilespmem:$0x1F480] =	vst v63  }
0x127: {  	_ =	swait.ge [sflag:s18], $0x1000  }
0x128: {  	[sflag:s18] =	ssyncset.done $0x0  }
0x129: {  	[sflag:s18] =	ssyncadd.s32 $0xFFFFF000  }
0x12a: {  	_ =	swait.ge [sflag:s19], $0x20  }
0x12b: {  	[sflag:s19] =	ssyncset.done $0x0  }
0x12c: {  	[sflag:s19] =	ssyncadd.s32 $0xFFFFFFE0  }
0x12d: {  	[spmem:s4] =	stream.indirect.scatter.add.f32 [tilespmem:s9], [sflag:$0x17], $0x80, s31, s1, $0xb8;
	[tilespmem:$0x1F480] =	vst v63  }
0x12e: {  	_ =	swait.ge [sflag:s20], $0x1000  }
0x12f: {  	[sflag:s20] =	ssyncset.done $0x0  }
0x130: {  	s7 =	simm.s32 @p0 $0x10;
	[sflag:s20] =	ssyncadd.s32 $0xFFFFF000  }
0x131: {  	_ =	swait.ge @p0 [sflag:s7], $0x1000  }
0x132: {  	[sflag:s7] =	ssyncset.done @p0 $0x0  }
0x133: {  	[sflag:s7] =	ssyncadd.s32 @p0 $0xFFFFF000;
	s7 =	simm.s32 @p0 $0x8  }
0x134: {  	_ =	swait.ge @p0 [sflag:s7], $0x20  }
0x135: {  	s28 =	simm.s32 @p0 $0x7B80;
	[sflag:s7] =	ssyncset.done @p0 $0x0  }
0x136: {  	s29 =	simm.s32 @p0 $0x2A00;
	[sflag:s7] =	ssyncadd.s32 @p0 $0xFFFFFFE0;
	s7 =	simm.s32 @p0 $0x20  }
0x137: {  	[spmem:s4] =	stream.indirect.scatter.add.f32 @p0 [tilespmem:s28], [sflag:$0x18], $0x80, s29, s7, $0xb8;
	[tilespmem:$0x1F480] =	vst v63  }
0x138: {  	s7 =	simm.s32 @p0 $0x16  }
0x139: {  	_ =	swait.ge @p0 [sflag:s7], $0x1000  }
0x13a: {  	[sflag:s7] =	ssyncset.done @p0 $0x0  }
0x13b: {  	s28 =	simm.s32 @!p0 $0x4B80;
	[sflag:s7] =	ssyncadd.s32 @p0 $0xFFFFF000;
	s7 =	sadd.s32 @!p0 $0x140, s15  }
0x13c: {  	[tilespmem:s28], [sflag:$0xD] =	stream.indirect.gather @!p0 [hbm4b:s0+s16], $0x80, s7, s16, $0xb8;
	[tilespmem:$0x1F480] =	vst v63  }
0x13d: {  	s7 =	rddreg [dreg:$0x14]  }
0x13e: {  	s29 =	simm.s32 @!p0 $0x2780;
	s28 =	simm.s32 @!p0 $0x0;
	s7 =	sadd.s32 @!p0 s2, s7  }
0x13f: {  	[tilespmem:s29], [sflag:$0x3] =	stream.linear.gather @!p0 [hbm4b:s7+s28], $0x20, $0x38;
	[tilespmem:$0x1F480] =	vst v63  }
0x140: {  	s7 =	simm.s32 @!p0 $0x10  }
0x141: {  	_ =	swait.ge @!p0 [sflag:s7], $0x1000  }
0x142: {  	[sflag:s7] =	ssyncset.done @!p0 $0x0  }
0x143: {  	[sflag:s7] =	ssyncadd.s32 @!p0 $0xFFFFF000;
	s7 =	simm.s32 @!p0 $0x8  }
0x144: {  	_ =	swait.ge @!p0 [sflag:s7], $0x20  }
0x145: {  	[sflag:s7] =	ssyncset.done @!p0 $0x0  }
0x146: {  	s29 =	simm.s32 @!p0 $0x7B80;
	[sflag:s7] =	ssyncadd.s32 @!p0 $0xFFFFFFE0;
	s7 =	simm.s32 @!p0 $0x2A00  }
0x147: {  	[spmem:s4] =	stream.indirect.scatter.add.f32 @!p0 [tilespmem:s29], [sflag:$0x18], $0x80, s7, s16, $0xb8;
	[tilespmem:$0x1F480] =	vst v63  }
0x148: {  	s7 =	simm.s32 @!p0 $0x16  }
0x149: {  	_ =	swait.ge @!p0 [sflag:s7], $0x1000  }
0x14a: {  	[sflag:s7] =	ssyncset.done @!p0 $0x0  }
0x14b: {  	[sflag:s7] =	ssyncadd.s32 @!p0 $0xFFFFF000;
	s7 =	sadd.s32 @!p0 $0x160, s15;
	s15 =	simm.s32 @!p0 $0x5B80  }
0x14c: {  	[tilespmem:s15], [sflag:$0xE] =	stream.indirect.gather @!p0 [hbm4b:s0+s16], $0x80, s7, s16, $0xb8;
	[tilespmem:$0x1F480] =	vst v63  }
0x14d: {  	s7 =	rddreg [dreg:$0x13]  }
0x14e: {  	s15 =	simm.s32 @!p0 $0x2800;
	s7 =	sadd.s32 @!p0 s2, s7  }
0x14f: {  	[tilespmem:s15], [sflag:$0x4] =	stream.linear.gather @!p0 [hbm4b:s7+s28], $0x20, $0x38;
	[tilespmem:$0x1F480] =	vst v63  }
0x150: {  	_ =	swait.ge [sflag:s21], $0x1000  }
0x151: {  	[sflag:s21] =	ssyncset.done $0x0  }
0x152: {  	[sflag:s21] =	ssyncadd.s32 $0xFFFFF000  }
0x153: {  	_ =	swait.ge [sflag:s22], $0x20  }
0x154: {  	[sflag:s22] =	ssyncset.done $0x0  }
.Ltmp3:
0x155: {  	[sflag:s22] =	ssyncadd.s32 $0xFFFFFFE0;
	(pc) =	sbr.rel @p0 .LBB2_6-.Ltmp3, $4  }
0x156: {  	[spmem:s4] =	stream.indirect.scatter.add.f32 [tilespmem:s30], [sflag:$0x19], $0x80, s26, s1, $0xb8;
	[tilespmem:$0x1F480] =	vst v63  }
0x157: {  	_ =	swait.ge [sflag:s23], $0x1000  }
0x158: {  	[sflag:s23] =	ssyncset.done $0x0  }
0x159: {  	s6 =	simm.s32 $0x2900;
	s13 =	simm.s32 $0x9B80;
	[sflag:s23] =	ssyncadd.s32 $0xFFFFF000  }
0x15a: {  	s7 =	sadd.s32 $0x180, s11;
	s16 =	rddreg [dreg:$0x12]  }
0x15b: {  	[tilespmem:s9], [sflag:$0xF] =	stream.indirect.gather [hbm4b:s0+s1], $0x80, s7, s1, $0xb8;
	[tilespmem:$0x1F480] =	vst v63  }
0x15c: {  	s7 =	sadd.s32 s2, s16  }
0x15d: {  	[tilespmem:s14], [sflag:$0x5] =	stream.linear.gather [hbm4b:s7+s5], $0x20, $0x38;
	[tilespmem:$0x1F480] =	vst v63  }
0x15e: {  	_ =	swait.ge [sflag:s24], $0x1000  }
0x15f: {  	[sflag:s24] =	ssyncset.done $0x0  }
0x160: {  	[sflag:s24] =	ssyncadd.s32 $0xFFFFF000  }
0x161: {  	_ =	swait.ge [sflag:s25], $0x20  }
0x162: {  	[sflag:s25] =	ssyncset.done $0x0  }
0x163: {  	s15 =	simm.s32 $0x7B80;
	[sflag:s25] =	ssyncadd.s32 $0xFFFFFFE0  }
0x164: {  	[spmem:s4] =	stream.indirect.scatter.add.f32 [tilespmem:s13], [sflag:$0x1A], $0x80, s8, s1, $0xb8;
	[tilespmem:$0x1F480] =	vst v63  }
0x165: {  	s3 =	sadd.s32 $0x400, s3;
	s28 =	simm.s32 $0x9B80;
	_ =	swait.ge [sflag:s12], $0x1000  }
.Ltmp4:
0x166: {  	s29 =	simm.s32 $0x2880;
	[sflag:s12] =	ssyncset.done $0x0;
	(pc) =	sbr.rel .LBB2_4-.Ltmp4, $4  }
0x167: {  	s13 =	sadd.s32 $0x1A0, s11;
	s16 =	rddreg [dreg:$0x11];
	[sflag:s12] =	ssyncadd.s32 $0xFFFFF000  }
0x168: {  	[tilespmem:s15], [sflag:$0x10] =	stream.indirect.gather [hbm4b:s0+s1], $0x80, s13, s1, $0xb8;
	[tilespmem:$0x1F480] =	vst v63  }
0x169: {  	s7 =	sadd.s32 s2, s16;
	s2 =	sadd.s32 $0x20, s2;
	s13 =	simm.s32 $0x2900  }
0x16a: {  	[tilespmem:s6], [sflag:$0x6] =	stream.linear.gather [hbm4b:s7+s5], $0x20, $0x38;
	[tilespmem:$0x1F480] =	vst v63  }
.LBB2_7:
0x16b: {  	_ =	sfence.sel $0x180000  }
0x16c: {  	[bflag:$0x0] =	sbarrier.arrive $0xFFFF  }
0x16d: {  	_ =	strace $0x90000047  }
0x16e: {  	s0 =	stileid.u32;
	[bflag:$0x2] =	sbarrier.arrive $0xFFFF  }
0x16f: {  	p0 =	sne.s32 s0, $0x0;
	s0 =	rddreg [dreg:$0x4]  }
0x170: {  	s0 =	sadd.s32 @!p0 $0x100000, s0  }
0x171: {  	[sflag:s0] =	ssyncadd.tile.s32 @!p0 $0x1;
	_ =	shalt  }
.Lfunc_end2:
_tile_overlayer_lowered:
.L_overlay_start_2:
0x172: {  	(tag) =	ssettag $0x2  }
0x173: {  	s0 =	rddreg [dreg:$0x0];
	s2 =	stileid.u32  }
0x174: {  	s1 =	rddreg [dreg:$0x1];
	p0 =	sne.s32 s2, $0x0  }
0x175: {  	s3 =	rddreg [dreg:$0x2];
	[bflag:$0x3] =	sbarrier.arrive $0xFFFF;
	s2 =	simm.s32 @!p0 $0x1C1B  }
0x176: {  	[timem:s3], [sflag:s2] =	dma.local @!p0 [hbm:s0], s1  }
0x177: {  	s0 =	simm.s32 @!p0 $0x1B  }
0x178: {  	_ =	swait.ge @!p0 [sflag:s0], s1  }
0x179: {  	s1 =	ssub.s32 @!p0 $0x0, s1;
	[sflag:s0] =	ssyncset.done @!p0 $0x0  }
0x17a: {  	[sflag:s0] =	ssyncadd.s32 @!p0 s1  }
0x17b: {  	[bflag:$0x3] =	sbarrier.arrive $0xFFFF  }
0x17c: {  	_ =	shalt  }

</sc_bundles>
